<compile_context>
chip_gen: v7x
topology: tpu7x:2x2x1
jax: 0.10.2.dev20260603
libtpu: 0.0.44.dev20260713+nightly
codegen_flags: <defaults>
</compile_context>

<pallas_src>
import functools

import jax
import jax.numpy as jnp
from jax import lax
from jax.experimental import pallas as pl
from jax.experimental.pallas import tpu as pltpu
from jax.experimental.pallas import tpu_sc as plsc

BATCH = 16384
CAT = 26
EMB = 32
CONT = 13
NC = 2
NS = 16
NW = NC * NS
BPW = BATCH // NW
QPW = BPW // 128
NCHUNK = CAT * QPW
CPAD = 16
WLEN = CAT * EMB + CPAD
NBUF = 6
RPITCH = 34


def _body(cat, cont, table, wf, out,
          idx_v, cont_v, rows_v, acc_v, acc32_v, w_v, sem):
    wid = lax.axis_index("s") * NC + lax.axis_index("c")
    base = wid * BPW
    pltpu.sync_copy(cat.at[wid], idx_v)
    pltpu.sync_copy(cont.at[pl.ds(base, BPW)], cont_v)
    pltpu.sync_copy(wf, w_v)
    iota = lax.iota(jnp.int32, 16)

    def fire(c, buf):
        pltpu.async_copy(table.at[idx_v.at[c]], rows_v.at[buf], sem.at[buf])

    def tc(t):
        return t // 2 + lax.rem(t, 2) * (NCHUNK // 2)

    for t0 in range(NBUF - 2):
        fire(t0 // 2 + (t0 % 2) * (NCHUNK // 2), t0)

    zero16 = jnp.zeros((16,), jnp.float32)
    wcv = w_v[pl.ds(CAT * EMB, 16)]

    def z(r, carry):
        acc32_v[r, pl.ds(0, 16)] = cont_v[r, pl.ds(0, 16)] * wcv
        acc32_v[r, pl.ds(16, 16)] = zero16
        return carry

    lax.fori_loop(0, BPW, z, 0)

    def pair(p, carry):
        for k in range(2):
            t = 2 * p + NBUF - 2 + k

            @pl.when(t < NCHUNK)
            def _():
                fire(tc(t), lax.rem(t, NBUF))

        buf1 = lax.rem(2 * p, NBUF)
        buf2 = lax.rem(2 * p + 1, NBUF)
        c1 = tc(2 * p)
        c2 = tc(2 * p + 1)
        pltpu.make_async_copy(
            table.at[idx_v.at[c1]], rows_v.at[buf1], sem.at[buf1]).wait()
        pltpu.make_async_copy(
            table.at[idx_v.at[c2]], rows_v.at[buf2], sem.at[buf2]).wait()
        woff1 = (p // QPW) * EMB
        woff2 = woff1 + (NCHUNK // 2 // QPW) * EMB
        wa0 = w_v[pl.ds(woff1, 16)]
        wa1 = w_v[pl.ds(woff1 + 16, 16)]
        wb0 = w_v[pl.ds(woff2, 16)]
        wb1 = w_v[pl.ds(woff2 + 16, 16)]
        qbase = lax.rem(p, QPW) * 128

        def rowf(r4, inner_carry):
            for k in range(8):
                r = r4 * 8 + k
                a0 = acc32_v[qbase + r, pl.ds(0, 16)]
                a1 = acc32_v[qbase + r, pl.ds(16, 16)]
                v0 = rows_v[buf1, r, pl.ds(0, 16)]
                v1 = rows_v[buf1, r, pl.ds(16, 16)]
                u0 = rows_v[buf2, r, pl.ds(0, 16)]
                u1 = rows_v[buf2, r, pl.ds(16, 16)]
                acc32_v[qbase + r, pl.ds(0, 16)] = (a0 + v0 * wa0) + u0 * wb0
                acc32_v[qbase + r, pl.ds(16, 16)] = (a1 + v1 * wa1) + u1 * wb1
            return inner_carry

        lax.fori_loop(0, 16, rowf, 0)
        return carry

    lax.fori_loop(0, NCHUNK // 2, pair, 0)

    def sig(g, carry):
        ridx = g * 16 + iota
        x = jnp.zeros((16,), jnp.float32)
        for d in range(EMB):
            x = x + plsc.load_gather(acc32_v,
                                     [ridx, jnp.full((16,), d, jnp.int32)])
        acc_v[pl.ds(g * 16, 16)] = 1.0 / (1.0 + jnp.exp(-x))
        return carry

    lax.fori_loop(0, BPW // 16, sig, 0)
    pltpu.sync_copy(acc_v, out.at[pl.ds(base, BPW)])


@functools.partial(jax.jit)
def _run(cat_idx, cont_p, table, wf):
    mesh = plsc.VectorSubcoreMesh(core_axis_name="c", subcore_axis_name="s")
    f = pl.kernel(
        _body,
        mesh=mesh,
        compiler_params=pltpu.CompilerParams(
            needs_layout_passes=False, use_tc_tiling_on_sc=False),
        out_type=jax.ShapeDtypeStruct((BATCH,), jnp.float32),
        scratch_types=[
            pltpu.VMEM((NCHUNK, 128), jnp.int32),
            pltpu.VMEM((BPW, CPAD), jnp.float32),
            pltpu.VMEM((NBUF, 128, EMB), jnp.float32),
            pltpu.VMEM((BPW,), jnp.float32),
            pltpu.VMEM((BPW, RPITCH), jnp.float32),
            pltpu.VMEM((WLEN,), jnp.float32),
            pltpu.SemaphoreType.DMA((NBUF,)),
        ],
    )
    return f(cat_idx, cont_p, table, wf)


def kernel(categorical_features, continous_features, emb_table, W, b):
    wf = jnp.concatenate([W[:, 0], b, jnp.zeros((2,), jnp.float32)])
    cat_fm = (categorical_features.astype(jnp.int32)
              .reshape(NW, QPW, 128, CAT)
              .transpose(0, 3, 1, 2)
              .reshape(NW, NCHUNK, 128))
    cont16 = jnp.concatenate(
        [continous_features,
         jnp.ones((BATCH, 1), jnp.float32),
         jnp.zeros((BATCH, 2), jnp.float32)], axis=1)
    out = _run(cat_fm, cont16, emb_table, wf)
    return out.reshape(BATCH, 1)

# --- scband reference (transcript-rebuilt; emitter-appended) ---
"""Pipeline reference for scband-simple-classify-24146306138683 (READ-ONLY COPY).

The authoritative reference and input builder live on the scoring server;
editing this copy changes nothing except your own understanding.
"""

import jax, jax.numpy as jnp
import numpy as np

CAT_NBR = 26
CONT_NBR = 13
EMB_DIM = 32
VOCAB = 1000000
BATCH = 16384

def setup_inputs(seed: int = 0) -> dict:
    key = jax.random.key(seed)
    k1, k2, k3, k4 = jax.random.split(key, 4)
    categorical_features = jax.random.randint(k1, (BATCH, CAT_NBR), 0, VOCAB, dtype=jnp.int64 if jax.config.jax_enable_x64 else jnp.int32)
    continous_features = jax.random.normal(k2, (BATCH, CONT_NBR), dtype=jnp.float32)
    emb_table = jax.random.normal(k3, (VOCAB, EMB_DIM), dtype=jnp.float32) * 0.02
    W = jax.random.normal(k4, (CONT_NBR + CAT_NBR * EMB_DIM, 1), dtype=jnp.float32) * 0.02
    b = jnp.zeros((1,), dtype=jnp.float32)
    return {"categorical_features": categorical_features, "continous_features": continous_features, "emb_table": emb_table, "W": W, "b": b}

def reference(categorical_features, continous_features, emb_table, W, b):
    # per-field embedding lookup, matching the torch loop over last dim
    cat_vector = []
    for i in range(CAT_NBR):
        cat = jnp.take(emb_table, categorical_features[..., i], axis=0)
        cat_vector.append(cat)
    cat_vector = jnp.concatenate(cat_vector, axis=-1)
    input_vector = jnp.concatenate([cat_vector, continous_features], axis=-1)
    logits = input_vector @ W + b
    return jax.nn.sigmoid(logits)

if __name__ == "__main__":
    import jax
    _d = setup_inputs()
    print(jax.jit(kernel)(*tuple(_d.values())))

</pallas_src>

<mosaic_0001>
#map = affine_map<(d0, d1) -> (0, 0, 0)>
#map1 = affine_map<(d0, d1) -> (0, 0)>
#map2 = affine_map<(d0, d1) -> (0)>
module attributes {stable_mosaic.version = 14 : i64} {
  func.func @_body(%arg0: i32, %arg1: i32, %arg2: memref<32x104x128xi32, #tpu.memory_space<hbm>>, %arg3: memref<16384x16xf32, #tpu.memory_space<hbm>>, %arg4: memref<1000000x32xf32, #tpu.memory_space<hbm>>, %arg5: memref<848xf32, #tpu.memory_space<hbm>>, %arg6: memref<16384xf32, #tpu.memory_space<hbm>>, %arg7: memref<104x128xi32, #tpu.memory_space<vmem>>, %arg8: memref<512x16xf32, #tpu.memory_space<vmem>>, %arg9: memref<6x128x32xf32, #tpu.memory_space<vmem>>, %arg10: memref<512xf32, #tpu.memory_space<vmem>>, %arg11: memref<512x34xf32, #tpu.memory_space<vmem>>, %arg12: memref<848xf32, #tpu.memory_space<vmem>>, %arg13: memref<6x!tpu.dma_semaphore, #tpu.memory_space<semaphore_mem>>) attributes {dimension_semantics = [#tpu.dimension_semantics<core_parallel>, #tpu.dimension_semantics<subcore_parallel>], iteration_bounds = array<i64: 2, 16>, scalar_prefetch = 0 : i64, scratch_operands = 7 : i64, tpu.core_type = #tpu.core_type<sc_vector_subcore>, window_params = [{transform_indices = #map}, {transform_indices = #map1}, {transform_indices = #map1}, {transform_indices = #map2}, {transform_indices = #map2}]} {
    %mul3A = arith.constant 2 : i32
    %mul3A_0 = arith.muli %arg1, %mul3A : i32
    %add3A = arith.addi %mul3A_0, %arg0 : i32
    %mul3A_1 = arith.constant 512 : i32
    %mul3A_2 = arith.muli %add3A, %mul3A_1 : i32
    "tpu.region"() ({
      %run_scoped3A = tpu.sem_alloc : memref<!tpu.dma_semaphore, #tpu.memory_space<semaphore_mem>>
      %dma_start3A_81 = arith.constant 0 : i32
      %dma_start3A_82 = arith.constant 0 : i32
      %dma_start3A_83 = tpu.memref_slice %arg2[%add3A, %dma_start3A_81, %dma_start3A_82] : memref<32x104x128xi32, #tpu.memory_space<hbm>> -> memref<1x104x128xi32, #tpu.memory_space<hbm>>
      %dma_start3A_84 = tpu.memref_squeeze %dma_start3A_83 : memref<1x104x128xi32, #tpu.memory_space<hbm>> -> memref<104x128xi32, #tpu.memory_space<hbm>>
      %dma_start3A_85 = arith.constant 0 : i32
      %dma_start3A_86 = arith.constant 0 : i32
      %dma_start3A_87 = tpu.memref_slice %arg2[%add3A, %dma_start3A_85, %dma_start3A_86] : memref<32x104x128xi32, #tpu.memory_space<hbm>> -> memref<1x104x128xi32, #tpu.memory_space<hbm>>
      %dma_start3A_88 = tpu.memref_squeeze %dma_start3A_87 : memref<1x104x128xi32, #tpu.memory_space<hbm>> -> memref<104x128xi32, #tpu.memory_space<hbm>>
      tpu.enqueue_dma source(%dma_start3A_88 : memref<104x128xi32, #tpu.memory_space<hbm>>) target(%arg7 : memref<104x128xi32, #tpu.memory_space<vmem>>) target_semaphore(%run_scoped3A : memref<!tpu.dma_semaphore, #tpu.memory_space<semaphore_mem>>)
      %dma_wait3A = arith.constant 0 : i32
      %dma_wait3A_89 = arith.constant 0 : i32
      %dma_wait3A_90 = tpu.memref_slice %arg2[%add3A, %dma_wait3A, %dma_wait3A_89] : memref<32x104x128xi32, #tpu.memory_space<hbm>> -> memref<1x104x128xi32, #tpu.memory_space<hbm>>
      %dma_wait3A_91 = tpu.memref_squeeze %dma_wait3A_90 : memref<1x104x128xi32, #tpu.memory_space<hbm>> -> memref<104x128xi32, #tpu.memory_space<hbm>>
      %dma_wait3A_92 = arith.constant 0 : i32
      %dma_wait3A_93 = arith.constant 0 : i32
      %dma_wait3A_94 = tpu.memref_slice %arg2[%add3A, %dma_wait3A_92, %dma_wait3A_93] : memref<32x104x128xi32, #tpu.memory_space<hbm>> -> memref<1x104x128xi32, #tpu.memory_space<hbm>>
      %dma_wait3A_95 = tpu.memref_squeeze %dma_wait3A_94 : memref<1x104x128xi32, #tpu.memory_space<hbm>> -> memref<104x128xi32, #tpu.memory_space<hbm>>
      tpu.wait_dma2 semaphore(%run_scoped3A : memref<!tpu.dma_semaphore, #tpu.memory_space<semaphore_mem>>) src(%dma_wait3A_95 : memref<104x128xi32, #tpu.memory_space<hbm>>) dst(%arg7 : memref<104x128xi32, #tpu.memory_space<vmem>>)
      tpu.yield
    }) : () -> ()
    "tpu.region"() ({
      %run_scoped3A = tpu.sem_alloc : memref<!tpu.dma_semaphore, #tpu.memory_space<semaphore_mem>>
      %dma_start3A_81 = arith.constant 0 : i32
      %dma_start3A_82 = tpu.memref_slice %arg3[%mul3A_2, %dma_start3A_81] : memref<16384x16xf32, #tpu.memory_space<hbm>> -> memref<512x16xf32, #tpu.memory_space<hbm>>
      %dma_start3A_83 = arith.constant 0 : i32
      %dma_start3A_84 = tpu.memref_slice %arg3[%mul3A_2, %dma_start3A_83] : memref<16384x16xf32, #tpu.memory_space<hbm>> -> memref<512x16xf32, #tpu.memory_space<hbm>>
      tpu.enqueue_dma source(%dma_start3A_84 : memref<512x16xf32, #tpu.memory_space<hbm>>) target(%arg8 : memref<512x16xf32, #tpu.memory_space<vmem>>) target_semaphore(%run_scoped3A : memref<!tpu.dma_semaphore, #tpu.memory_space<semaphore_mem>>)
      %dma_wait3A = arith.constant 0 : i32
      %dma_wait3A_85 = tpu.memref_slice %arg3[%mul3A_2, %dma_wait3A] : memref<16384x16xf32, #tpu.memory_space<hbm>> -> memref<512x16xf32, #tpu.memory_space<hbm>>
      %dma_wait3A_86 = arith.constant 0 : i32
      %dma_wait3A_87 = tpu.memref_slice %arg3[%mul3A_2, %dma_wait3A_86] : memref<16384x16xf32, #tpu.memory_space<hbm>> -> memref<512x16xf32, #tpu.memory_space<hbm>>
      tpu.wait_dma2 semaphore(%run_scoped3A : memref<!tpu.dma_semaphore, #tpu.memory_space<semaphore_mem>>) src(%dma_wait3A_87 : memref<512x16xf32, #tpu.memory_space<hbm>>) dst(%arg8 : memref<512x16xf32, #tpu.memory_space<vmem>>)
      tpu.yield
    }) : () -> ()
    "tpu.region"() ({
      %run_scoped3A = tpu.sem_alloc : memref<!tpu.dma_semaphore, #tpu.memory_space<semaphore_mem>>
      tpu.enqueue_dma source(%arg5 : memref<848xf32, #tpu.memory_space<hbm>>) target(%arg12 : memref<848xf32, #tpu.memory_space<vmem>>) target_semaphore(%run_scoped3A : memref<!tpu.dma_semaphore, #tpu.memory_space<semaphore_mem>>)
      tpu.wait_dma2 semaphore(%run_scoped3A : memref<!tpu.dma_semaphore, #tpu.memory_space<semaphore_mem>>) src(%arg5 : memref<848xf32, #tpu.memory_space<hbm>>) dst(%arg12 : memref<848xf32, #tpu.memory_space<vmem>>)
      tpu.yield
    }) : () -> ()
    %iota3A = tpu.iota {dimensions = array<i32: 0>} : vector<16xi32>
    %dma_start3A = arith.constant 0 : i32
    %dma_start3A_3 = arith.constant 0 : i32
    %dma_start3A_4 = arith.constant 0 : i32
    %dma_start3A_5 = arith.constant 0 : i32
    %dma_start3A_6 = arith.constant 0 : i32
    %dma_start3A_7 = tpu.memref_slice %arg9[%dma_start3A_3, %dma_start3A_5, %dma_start3A_6] : memref<6x128x32xf32, #tpu.memory_space<vmem>> -> memref<1x128x32xf32, #tpu.memory_space<vmem>>
    %dma_start3A_8 = tpu.memref_squeeze %dma_start3A_7 : memref<1x128x32xf32, #tpu.memory_space<vmem>> -> memref<128x32xf32, #tpu.memory_space<vmem>>
    %dma_start3A_9 = arith.constant 0 : i32
    %dma_start3A_10 = tpu.memref_slice %arg7[%dma_start3A, %dma_start3A_9] : memref<104x128xi32, #tpu.memory_space<vmem>> -> memref<1x128xi32, #tpu.memory_space<vmem>>
    %dma_start3A_11 = tpu.memref_squeeze %dma_start3A_10 : memref<1x128xi32, #tpu.memory_space<vmem>> -> memref<128xi32, #tpu.memory_space<vmem>>
    %dma_start3A_12 = arith.constant 0 : i32
    %dma_start3A_13 = arith.constant 0 : i32
    %dma_start3A_14 = tpu.memref_slice %arg4[%dma_start3A_12, %dma_start3A_13] : memref<1000000x32xf32, #tpu.memory_space<hbm>> -> memref<1000000x32xf32, #tpu.memory_space<hbm>>
    %dma_start3A_15 = tpu.memref_slice %arg13[%dma_start3A_4] : memref<6x!tpu.dma_semaphore, #tpu.memory_space<semaphore_mem>> -> memref<1x!tpu.dma_semaphore, #tpu.memory_space<semaphore_mem>>
    %dma_start3A_16 = tpu.memref_squeeze %dma_start3A_15 : memref<1x!tpu.dma_semaphore, #tpu.memory_space<semaphore_mem>> -> memref<!tpu.dma_semaphore, #tpu.memory_space<semaphore_mem>>
    tpu.enqueue_indirect_dma source(%dma_start3A_14 : memref<1000000x32xf32, #tpu.memory_space<hbm>>) target(%dma_start3A_8 : memref<128x32xf32, #tpu.memory_space<vmem>>) offsets(%dma_start3A_11 : memref<128xi32, #tpu.memory_space<vmem>>) semaphore(%dma_start3A_16 : memref<!tpu.dma_semaphore, #tpu.memory_space<semaphore_mem>>)
    %dma_start3A_17 = arith.constant 52 : i32
    %dma_start3A_18 = arith.constant 1 : i32
    %dma_start3A_19 = arith.constant 1 : i32
    %dma_start3A_20 = arith.constant 0 : i32
    %dma_start3A_21 = arith.constant 0 : i32
    %dma_start3A_22 = tpu.memref_slice %arg9[%dma_start3A_18, %dma_start3A_20, %dma_start3A_21] : memref<6x128x32xf32, #tpu.memory_space<vmem>> -> memref<1x128x32xf32, #tpu.memory_space<vmem>>
    %dma_start3A_23 = tpu.memref_squeeze %dma_start3A_22 : memref<1x128x32xf32, #tpu.memory_space<vmem>> -> memref<128x32xf32, #tpu.memory_space<vmem>>
    %dma_start3A_24 = arith.constant 0 : i32
    %dma_start3A_25 = tpu.memref_slice %arg7[%dma_start3A_17, %dma_start3A_24] : memref<104x128xi32, #tpu.memory_space<vmem>> -> memref<1x128xi32, #tpu.memory_space<vmem>>
    %dma_start3A_26 = tpu.memref_squeeze %dma_start3A_25 : memref<1x128xi32, #tpu.memory_space<vmem>> -> memref<128xi32, #tpu.memory_space<vmem>>
    %dma_start3A_27 = arith.constant 0 : i32
    %dma_start3A_28 = arith.constant 0 : i32
    %dma_start3A_29 = tpu.memref_slice %arg4[%dma_start3A_27, %dma_start3A_28] : memref<1000000x32xf32, #tpu.memory_space<hbm>> -> memref<1000000x32xf32, #tpu.memory_space<hbm>>
    %dma_start3A_30 = tpu.memref_slice %arg13[%dma_start3A_19] : memref<6x!tpu.dma_semaphore, #tpu.memory_space<semaphore_mem>> -> memref<1x!tpu.dma_semaphore, #tpu.memory_space<semaphore_mem>>
    %dma_start3A_31 = tpu.memref_squeeze %dma_start3A_30 : memref<1x!tpu.dma_semaphore, #tpu.memory_space<semaphore_mem>> -> memref<!tpu.dma_semaphore, #tpu.memory_space<semaphore_mem>>
    tpu.enqueue_indirect_dma source(%dma_start3A_29 : memref<1000000x32xf32, #tpu.memory_space<hbm>>) target(%dma_start3A_23 : memref<128x32xf32, #tpu.memory_space<vmem>>) offsets(%dma_start3A_26 : memref<128xi32, #tpu.memory_space<vmem>>) semaphore(%dma_start3A_31 : memref<!tpu.dma_semaphore, #tpu.memory_space<semaphore_mem>>)
    %dma_start3A_32 = arith.constant 1 : i32
    %dma_start3A_33 = arith.constant 2 : i32
    %dma_start3A_34 = arith.constant 2 : i32
    %dma_start3A_35 = arith.constant 0 : i32
    %dma_start3A_36 = arith.constant 0 : i32
    %dma_start3A_37 = tpu.memref_slice %arg9[%dma_start3A_33, %dma_start3A_35, %dma_start3A_36] : memref<6x128x32xf32, #tpu.memory_space<vmem>> -> memref<1x128x32xf32, #tpu.memory_space<vmem>>
    %dma_start3A_38 = tpu.memref_squeeze %dma_start3A_37 : memref<1x128x32xf32, #tpu.memory_space<vmem>> -> memref<128x32xf32, #tpu.memory_space<vmem>>
    %dma_start3A_39 = arith.constant 0 : i32
    %dma_start3A_40 = tpu.memref_slice %arg7[%dma_start3A_32, %dma_start3A_39] : memref<104x128xi32, #tpu.memory_space<vmem>> -> memref<1x128xi32, #tpu.memory_space<vmem>>
    %dma_start3A_41 = tpu.memref_squeeze %dma_start3A_40 : memref<1x128xi32, #tpu.memory_space<vmem>> -> memref<128xi32, #tpu.memory_space<vmem>>
    %dma_start3A_42 = arith.constant 0 : i32
    %dma_start3A_43 = arith.constant 0 : i32
    %dma_start3A_44 = tpu.memref_slice %arg4[%dma_start3A_42, %dma_start3A_43] : memref<1000000x32xf32, #tpu.memory_space<hbm>> -> memref<1000000x32xf32, #tpu.memory_space<hbm>>
    %dma_start3A_45 = tpu.memref_slice %arg13[%dma_start3A_34] : memref<6x!tpu.dma_semaphore, #tpu.memory_space<semaphore_mem>> -> memref<1x!tpu.dma_semaphore, #tpu.memory_space<semaphore_mem>>
    %dma_start3A_46 = tpu.memref_squeeze %dma_start3A_45 : memref<1x!tpu.dma_semaphore, #tpu.memory_space<semaphore_mem>> -> memref<!tpu.dma_semaphore, #tpu.memory_space<semaphore_mem>>
    tpu.enqueue_indirect_dma source(%dma_start3A_44 : memref<1000000x32xf32, #tpu.memory_space<hbm>>) target(%dma_start3A_38 : memref<128x32xf32, #tpu.memory_space<vmem>>) offsets(%dma_start3A_41 : memref<128xi32, #tpu.memory_space<vmem>>) semaphore(%dma_start3A_46 : memref<!tpu.dma_semaphore, #tpu.memory_space<semaphore_mem>>)
    %dma_start3A_47 = arith.constant 53 : i32
    %dma_start3A_48 = arith.constant 3 : i32
    %dma_start3A_49 = arith.constant 3 : i32
    %dma_start3A_50 = arith.constant 0 : i32
    %dma_start3A_51 = arith.constant 0 : i32
    %dma_start3A_52 = tpu.memref_slice %arg9[%dma_start3A_48, %dma_start3A_50, %dma_start3A_51] : memref<6x128x32xf32, #tpu.memory_space<vmem>> -> memref<1x128x32xf32, #tpu.memory_space<vmem>>
    %dma_start3A_53 = tpu.memref_squeeze %dma_start3A_52 : memref<1x128x32xf32, #tpu.memory_space<vmem>> -> memref<128x32xf32, #tpu.memory_space<vmem>>
    %dma_start3A_54 = arith.constant 0 : i32
    %dma_start3A_55 = tpu.memref_slice %arg7[%dma_start3A_47, %dma_start3A_54] : memref<104x128xi32, #tpu.memory_space<vmem>> -> memref<1x128xi32, #tpu.memory_space<vmem>>
    %dma_start3A_56 = tpu.memref_squeeze %dma_start3A_55 : memref<1x128xi32, #tpu.memory_space<vmem>> -> memref<128xi32, #tpu.memory_space<vmem>>
    %dma_start3A_57 = arith.constant 0 : i32
    %dma_start3A_58 = arith.constant 0 : i32
    %dma_start3A_59 = tpu.memref_slice %arg4[%dma_start3A_57, %dma_start3A_58] : memref<1000000x32xf32, #tpu.memory_space<hbm>> -> memref<1000000x32xf32, #tpu.memory_space<hbm>>
    %dma_start3A_60 = tpu.memref_slice %arg13[%dma_start3A_49] : memref<6x!tpu.dma_semaphore, #tpu.memory_space<semaphore_mem>> -> memref<1x!tpu.dma_semaphore, #tpu.memory_space<semaphore_mem>>
    %dma_start3A_61 = tpu.memref_squeeze %dma_start3A_60 : memref<1x!tpu.dma_semaphore, #tpu.memory_space<semaphore_mem>> -> memref<!tpu.dma_semaphore, #tpu.memory_space<semaphore_mem>>
    tpu.enqueue_indirect_dma source(%dma_start3A_59 : memref<1000000x32xf32, #tpu.memory_space<hbm>>) target(%dma_start3A_53 : memref<128x32xf32, #tpu.memory_space<vmem>>) offsets(%dma_start3A_56 : memref<128xi32, #tpu.memory_space<vmem>>) semaphore(%dma_start3A_61 : memref<!tpu.dma_semaphore, #tpu.memory_space<semaphore_mem>>)
    %broadcast_in_dim3A = arith.constant 0.000000e+00 : f32
    %broadcast_in_dim3A_62 = vector.broadcast %broadcast_in_dim3A : f32 to vector<16xf32>
    %get3A = arith.constant 832 : index
    %get3A_63 = tpu.vector_load %arg12[%get3A] {strides = array<i32>} : memref<848xf32, #tpu.memory_space<vmem>>, vector<16xf32>,
    %scan3A = arith.constant 0 : i32
    %scan3A_64 = arith.constant 0 : i32
    %scan3A_65 = arith.constant 512 : i32
    %scan3A_66 = arith.addi %scan3A_64, %scan3A_65 : i32
    %scan3A_67 = arith.constant 1 : i32
    scf.for %scan3A_81 = %scan3A_64 to %scan3A_66 step %scan3A_67  : i32 {
      %get3A_82 = arith.index_cast %scan3A_81 : i32 to index
      %get3A_83 = arith.constant 0 : index
      %get3A_84 = tpu.vector_load %arg8[%get3A_82, %get3A_83] {strides = array<i32>} : memref<512x16xf32, #tpu.memory_space<vmem>>, vector<16xf32>,
      %mul3A_85 = arith.mulf %get3A_84, %get3A_63 : vector<16xf32>
      %swap3A = arith.index_cast %scan3A_81 : i32 to index
      %swap3A_86 = arith.constant 0 : index
      %swap3A_87 = tpu.vector_load %arg11[%swap3A, %swap3A_86] {strides = array<i32>} : memref<512x34xf32, #tpu.memory_space<vmem>>, vector<16xf32>,
      tpu.vector_store %arg11[%swap3A, %swap3A_86], %mul3A_85 {strides = array<i32>} : memref<512x34xf32, #tpu.memory_space<vmem>>, vector<16xf32>,
      %swap3A_88 = arith.index_cast %scan3A_81 : i32 to index
      %swap3A_89 = arith.constant 16 : index
      %swap3A_90 = tpu.vector_load %arg11[%swap3A_88, %swap3A_89] {strides = array<i32>} : memref<512x34xf32, #tpu.memory_space<vmem>>, vector<16xf32>,
      tpu.vector_store %arg11[%swap3A_88, %swap3A_89], %broadcast_in_dim3A_62 {strides = array<i32>} : memref<512x34xf32, #tpu.memory_space<vmem>>, vector<16xf32>,
    }
    %scan3A_68 = arith.constant 512 : i32
    %scan3A_69 = arith.constant 0 : i32
    %scan3A_70 = arith.constant 0 : i32
    %scan3A_71 = arith.constant 52 : i32
    %scan3A_72 = arith.addi %scan3A_70, %scan3A_71 : i32
    %scan3A_73 = arith.constant 1 : i32
    scf.for %scan3A_81 = %scan3A_70 to %scan3A_72 step %scan3A_73  : i32 {
      %mul3A_82 = arith.constant 2 : i32
      %mul3A_83 = arith.muli %mul3A_82, %scan3A_81 : i32
      %add3A_84 = arith.constant 6 : i32
      %add3A_85 = arith.addi %mul3A_83, %add3A_84 : i32
      %sub3A = arith.constant 2 : i32
      %sub3A_86 = arith.subi %add3A_85, %sub3A : i32
      %add3A_87 = arith.constant 0 : i32
      %add3A_88 = arith.addi %sub3A_86, %add3A_87 : i32
      %lt3A = arith.constant 104 : i32
      %lt3A_89 = arith.cmpi slt, %add3A_88, %lt3A : i32
      %convert_element_type3A = arith.extui %lt3A_89 : i1 to i32
      %cond3A = arith.constant 0 : i32
      %cond3A_90 = arith.cmpi ne, %convert_element_type3A, %cond3A : i32
      scf.if %cond3A_90 {
        %jit3A_244 = arith.constant 2 : i32
        %div3A_245 = arith.divsi %add3A_88, %jit3A_244 : i32
        %sign3A_246 = arith.constant 0 : i32
        %sign3A_247 = arith.cmpi sgt, %add3A_88, %sign3A_246 : i32
        %sign3A_248 = arith.extui %sign3A_247 : i1 to i32
        %sign3A_249 = arith.constant 0 : i32
        %sign3A_250 = arith.cmpi slt, %add3A_88, %sign3A_249 : i32
        %sign3A_251 = arith.extui %sign3A_250 : i1 to i32
        %sign3A_252 = arith.subi %sign3A_248, %sign3A_251 : i32
        %sign3A_253 = arith.constant 0 : i32
        %sign3A_254 = arith.cmpi sgt, %jit3A_244, %sign3A_253 : i32
        %sign3A_255 = arith.extui %sign3A_254 : i1 to i32
        %sign3A_256 = arith.constant 0 : i32
        %sign3A_257 = arith.cmpi slt, %jit3A_244, %sign3A_256 : i32
        %sign3A_258 = arith.extui %sign3A_257 : i1 to i32
        %sign3A_259 = arith.subi %sign3A_255, %sign3A_258 : i32
        %ne3A_260 = arith.cmpi ne, %sign3A_252, %sign3A_259 : i32
        %rem3A_261 = arith.remsi %add3A_88, %jit3A_244 : i32
        %ne3A_262 = arith.constant 0 : i32
        %ne3A_263 = arith.cmpi ne, %rem3A_261, %ne3A_262 : i32
        %and3A_264 = arith.andi %ne3A_260, %ne3A_263 : i1
        %sub3A_265 = arith.constant 1 : i32
        %sub3A_266 = arith.subi %div3A_245, %sub3A_265 : i32
        %select_n3A_267 = arith.select %and3A_264, %sub3A_266, %div3A_245 : i32
        %rem3A_268 = arith.constant 2 : i32
        %rem3A_269 = arith.remsi %add3A_88, %rem3A_268 : i32
        %mul3A_270 = arith.constant 52 : i32
        %mul3A_271 = arith.muli %rem3A_269, %mul3A_270 : i32
        %add3A_272 = arith.addi %select_n3A_267, %mul3A_271 : i32
        %rem3A_273 = arith.constant 6 : i32
        %rem3A_274 = arith.remsi %add3A_88, %rem3A_273 : i32
        %dma_start3A_275 = arith.constant 0 : i32
        %dma_start3A_276 = arith.constant 0 : i32
        %dma_start3A_277 = tpu.memref_slice %arg9[%rem3A_274, %dma_start3A_275, %dma_start3A_276] : memref<6x128x32xf32, #tpu.memory_space<vmem>> -> memref<1x128x32xf32, #tpu.memory_space<vmem>>
        %dma_start3A_278 = tpu.memref_squeeze %dma_start3A_277 : memref<1x128x32xf32, #tpu.memory_space<vmem>> -> memref<128x32xf32, #tpu.memory_space<vmem>>
        %dma_start3A_279 = arith.constant 0 : i32
        %dma_start3A_280 = tpu.memref_slice %arg7[%add3A_272, %dma_start3A_279] : memref<104x128xi32, #tpu.memory_space<vmem>> -> memref<1x128xi32, #tpu.memory_space<vmem>>
        %dma_start3A_281 = tpu.memref_squeeze %dma_start3A_280 : memref<1x128xi32, #tpu.memory_space<vmem>> -> memref<128xi32, #tpu.memory_space<vmem>>
        %dma_start3A_282 = arith.constant 0 : i32
        %dma_start3A_283 = arith.constant 0 : i32
        %dma_start3A_284 = tpu.memref_slice %arg4[%dma_start3A_282, %dma_start3A_283] : memref<1000000x32xf32, #tpu.memory_space<hbm>> -> memref<1000000x32xf32, #tpu.memory_space<hbm>>
        %dma_start3A_285 = tpu.memref_slice %arg13[%rem3A_274] : memref<6x!tpu.dma_semaphore, #tpu.memory_space<semaphore_mem>> -> memref<1x!tpu.dma_semaphore, #tpu.memory_space<semaphore_mem>>
        %dma_start3A_286 = tpu.memref_squeeze %dma_start3A_285 : memref<1x!tpu.dma_semaphore, #tpu.memory_space<semaphore_mem>> -> memref<!tpu.dma_semaphore, #tpu.memory_space<semaphore_mem>>
        tpu.enqueue_indirect_dma source(%dma_start3A_284 : memref<1000000x32xf32, #tpu.memory_space<hbm>>) target(%dma_start3A_278 : memref<128x32xf32, #tpu.memory_space<vmem>>) offsets(%dma_start3A_281 : memref<128xi32, #tpu.memory_space<vmem>>) semaphore(%dma_start3A_286 : memref<!tpu.dma_semaphore, #tpu.memory_space<semaphore_mem>>)
      } else {
      }
      %mul3A_91 = arith.constant 2 : i32
      %mul3A_92 = arith.muli %mul3A_91, %scan3A_81 : i32
      %add3A_93 = arith.constant 6 : i32
      %add3A_94 = arith.addi %mul3A_92, %add3A_93 : i32
      %sub3A_95 = arith.constant 2 : i32
      %sub3A_96 = arith.subi %add3A_94, %sub3A_95 : i32
      %add3A_97 = arith.constant 1 : i32
      %add3A_98 = arith.addi %sub3A_96, %add3A_97 : i32
      %lt3A_99 = arith.constant 104 : i32
      %lt3A_100 = arith.cmpi slt, %add3A_98, %lt3A_99 : i32
      %convert_element_type3A_101 = arith.extui %lt3A_100 : i1 to i32
      %cond3A_102 = arith.constant 0 : i32
      %cond3A_103 = arith.cmpi ne, %convert_element_type3A_101, %cond3A_102 : i32
      scf.if %cond3A_103 {
        %jit3A_244 = arith.constant 2 : i32
        %div3A_245 = arith.divsi %add3A_98, %jit3A_244 : i32
        %sign3A_246 = arith.constant 0 : i32
        %sign3A_247 = arith.cmpi sgt, %add3A_98, %sign3A_246 : i32
        %sign3A_248 = arith.extui %sign3A_247 : i1 to i32
        %sign3A_249 = arith.constant 0 : i32
        %sign3A_250 = arith.cmpi slt, %add3A_98, %sign3A_249 : i32
        %sign3A_251 = arith.extui %sign3A_250 : i1 to i32
        %sign3A_252 = arith.subi %sign3A_248, %sign3A_251 : i32
        %sign3A_253 = arith.constant 0 : i32
        %sign3A_254 = arith.cmpi sgt, %jit3A_244, %sign3A_253 : i32
        %sign3A_255 = arith.extui %sign3A_254 : i1 to i32
        %sign3A_256 = arith.constant 0 : i32
        %sign3A_257 = arith.cmpi slt, %jit3A_244, %sign3A_256 : i32
        %sign3A_258 = arith.extui %sign3A_257 : i1 to i32
        %sign3A_259 = arith.subi %sign3A_255, %sign3A_258 : i32
        %ne3A_260 = arith.cmpi ne, %sign3A_252, %sign3A_259 : i32
        %rem3A_261 = arith.remsi %add3A_98, %jit3A_244 : i32
        %ne3A_262 = arith.constant 0 : i32
        %ne3A_263 = arith.cmpi ne, %rem3A_261, %ne3A_262 : i32
        %and3A_264 = arith.andi %ne3A_260, %ne3A_263 : i1
        %sub3A_265 = arith.constant 1 : i32
        %sub3A_266 = arith.subi %div3A_245, %sub3A_265 : i32
        %select_n3A_267 = arith.select %and3A_264, %sub3A_266, %div3A_245 : i32
        %rem3A_268 = arith.constant 2 : i32
        %rem3A_269 = arith.remsi %add3A_98, %rem3A_268 : i32
        %mul3A_270 = arith.constant 52 : i32
        %mul3A_271 = arith.muli %rem3A_269, %mul3A_270 : i32
        %add3A_272 = arith.addi %select_n3A_267, %mul3A_271 : i32
        %rem3A_273 = arith.constant 6 : i32
        %rem3A_274 = arith.remsi %add3A_98, %rem3A_273 : i32
        %dma_start3A_275 = arith.constant 0 : i32
        %dma_start3A_276 = arith.constant 0 : i32
        %dma_start3A_277 = tpu.memref_slice %arg9[%rem3A_274, %dma_start3A_275, %dma_start3A_276] : memref<6x128x32xf32, #tpu.memory_space<vmem>> -> memref<1x128x32xf32, #tpu.memory_space<vmem>>
        %dma_start3A_278 = tpu.memref_squeeze %dma_start3A_277 : memref<1x128x32xf32, #tpu.memory_space<vmem>> -> memref<128x32xf32, #tpu.memory_space<vmem>>
        %dma_start3A_279 = arith.constant 0 : i32
        %dma_start3A_280 = tpu.memref_slice %arg7[%add3A_272, %dma_start3A_279] : memref<104x128xi32, #tpu.memory_space<vmem>> -> memref<1x128xi32, #tpu.memory_space<vmem>>
        %dma_start3A_281 = tpu.memref_squeeze %dma_start3A_280 : memref<1x128xi32, #tpu.memory_space<vmem>> -> memref<128xi32, #tpu.memory_space<vmem>>
        %dma_start3A_282 = arith.constant 0 : i32
        %dma_start3A_283 = arith.constant 0 : i32
        %dma_start3A_284 = tpu.memref_slice %arg4[%dma_start3A_282, %dma_start3A_283] : memref<1000000x32xf32, #tpu.memory_space<hbm>> -> memref<1000000x32xf32, #tpu.memory_space<hbm>>
        %dma_start3A_285 = tpu.memref_slice %arg13[%rem3A_274] : memref<6x!tpu.dma_semaphore, #tpu.memory_space<semaphore_mem>> -> memref<1x!tpu.dma_semaphore, #tpu.memory_space<semaphore_mem>>
        %dma_start3A_286 = tpu.memref_squeeze %dma_start3A_285 : memref<1x!tpu.dma_semaphore, #tpu.memory_space<semaphore_mem>> -> memref<!tpu.dma_semaphore, #tpu.memory_space<semaphore_mem>>
        tpu.enqueue_indirect_dma source(%dma_start3A_284 : memref<1000000x32xf32, #tpu.memory_space<hbm>>) target(%dma_start3A_278 : memref<128x32xf32, #tpu.memory_space<vmem>>) offsets(%dma_start3A_281 : memref<128xi32, #tpu.memory_space<vmem>>) semaphore(%dma_start3A_286 : memref<!tpu.dma_semaphore, #tpu.memory_space<semaphore_mem>>)
      } else {
      }
      %mul3A_104 = arith.constant 2 : i32
      %mul3A_105 = arith.muli %mul3A_104, %scan3A_81 : i32
      %rem3A = arith.constant 6 : i32
      %rem3A_106 = arith.remsi %mul3A_105, %rem3A : i32
      %mul3A_107 = arith.constant 2 : i32
      %mul3A_108 = arith.muli %mul3A_107, %scan3A_81 : i32
      %add3A_109 = arith.constant 1 : i32
      %add3A_110 = arith.addi %mul3A_108, %add3A_109 : i32
      %rem3A_111 = arith.constant 6 : i32
      %rem3A_112 = arith.remsi %add3A_110, %rem3A_111 : i32
      %mul3A_113 = arith.constant 2 : i32
      %mul3A_114 = arith.muli %mul3A_113, %scan3A_81 : i32
      %jit3A = arith.constant 2 : i32
      %div3A = arith.divsi %mul3A_114, %jit3A : i32
      %sign3A = arith.constant 0 : i32
      %sign3A_115 = arith.cmpi sgt, %mul3A_114, %sign3A : i32
      %sign3A_116 = arith.extui %sign3A_115 : i1 to i32
      %sign3A_117 = arith.constant 0 : i32
      %sign3A_118 = arith.cmpi slt, %mul3A_114, %sign3A_117 : i32
      %sign3A_119 = arith.extui %sign3A_118 : i1 to i32
      %sign3A_120 = arith.subi %sign3A_116, %sign3A_119 : i32
      %sign3A_121 = arith.constant 0 : i32
      %sign3A_122 = arith.cmpi sgt, %jit3A, %sign3A_121 : i32
      %sign3A_123 = arith.extui %sign3A_122 : i1 to i32
      %sign3A_124 = arith.constant 0 : i32
      %sign3A_125 = arith.cmpi slt, %jit3A, %sign3A_124 : i32
      %sign3A_126 = arith.extui %sign3A_125 : i1 to i32
      %sign3A_127 = arith.subi %sign3A_123, %sign3A_126 : i32
      %ne3A = arith.cmpi ne, %sign3A_120, %sign3A_127 : i32
      %rem3A_128 = arith.remsi %mul3A_114, %jit3A : i32
      %ne3A_129 = arith.constant 0 : i32
      %ne3A_130 = arith.cmpi ne, %rem3A_128, %ne3A_129 : i32
      %and3A = arith.andi %ne3A, %ne3A_130 : i1
      %sub3A_131 = arith.constant 1 : i32
      %sub3A_132 = arith.subi %div3A, %sub3A_131 : i32
      %select_n3A = arith.select %and3A, %sub3A_132, %div3A : i32
      %rem3A_133 = arith.constant 2 : i32
      %rem3A_134 = arith.remsi %mul3A_114, %rem3A_133 : i32
      %mul3A_135 = arith.constant 52 : i32
      %mul3A_136 = arith.muli %rem3A_134, %mul3A_135 : i32
      %add3A_137 = arith.addi %select_n3A, %mul3A_136 : i32
      %mul3A_138 = arith.constant 2 : i32
      %mul3A_139 = arith.muli %mul3A_138, %scan3A_81 : i32
      %add3A_140 = arith.constant 1 : i32
      %add3A_141 = arith.addi %mul3A_139, %add3A_140 : i32
      %jit3A_142 = arith.constant 2 : i32
      %div3A_143 = arith.divsi %add3A_141, %jit3A_142 : i32
      %sign3A_144 = arith.constant 0 : i32
      %sign3A_145 = arith.cmpi sgt, %add3A_141, %sign3A_144 : i32
      %sign3A_146 = arith.extui %sign3A_145 : i1 to i32
      %sign3A_147 = arith.constant 0 : i32
      %sign3A_148 = arith.cmpi slt, %add3A_141, %sign3A_147 : i32
      %sign3A_149 = arith.extui %sign3A_148 : i1 to i32
      %sign3A_150 = arith.subi %sign3A_146, %sign3A_149 : i32
      %sign3A_151 = arith.constant 0 : i32
      %sign3A_152 = arith.cmpi sgt, %jit3A_142, %sign3A_151 : i32
      %sign3A_153 = arith.extui %sign3A_152 : i1 to i32
      %sign3A_154 = arith.constant 0 : i32
      %sign3A_155 = arith.cmpi slt, %jit3A_142, %sign3A_154 : i32
      %sign3A_156 = arith.extui %sign3A_155 : i1 to i32
      %sign3A_157 = arith.subi %sign3A_153, %sign3A_156 : i32
      %ne3A_158 = arith.cmpi ne, %sign3A_150, %sign3A_157 : i32
      %rem3A_159 = arith.remsi %add3A_141, %jit3A_142 : i32
      %ne3A_160 = arith.constant 0 : i32
      %ne3A_161 = arith.cmpi ne, %rem3A_159, %ne3A_160 : i32
      %and3A_162 = arith.andi %ne3A_158, %ne3A_161 : i1
      %sub3A_163 = arith.constant 1 : i32
      %sub3A_164 = arith.subi %div3A_143, %sub3A_163 : i32
      %select_n3A_165 = arith.select %and3A_162, %sub3A_164, %div3A_143 : i32
      %rem3A_166 = arith.constant 2 : i32
      %rem3A_167 = arith.remsi %add3A_141, %rem3A_166 : i32
      %mul3A_168 = arith.constant 52 : i32
      %mul3A_169 = arith.muli %rem3A_167, %mul3A_168 : i32
      %add3A_170 = arith.addi %select_n3A_165, %mul3A_169 : i32
      %dma_wait3A = arith.constant 0 : i32
      %dma_wait3A_171 = arith.constant 0 : i32
      %dma_wait3A_172 = tpu.memref_slice %arg9[%rem3A_106, %dma_wait3A, %dma_wait3A_171] : memref<6x128x32xf32, #tpu.memory_space<vmem>> -> memref<1x128x32xf32, #tpu.memory_space<vmem>>
      %dma_wait3A_173 = tpu.memref_squeeze %dma_wait3A_172 : memref<1x128x32xf32, #tpu.memory_space<vmem>> -> memref<128x32xf32, #tpu.memory_space<vmem>>
      %dma_wait3A_174 = arith.constant 0 : i32
      %dma_wait3A_175 = tpu.memref_slice %arg7[%add3A_137, %dma_wait3A_174] : memref<104x128xi32, #tpu.memory_space<vmem>> -> memref<1x128xi32, #tpu.memory_space<vmem>>
      %dma_wait3A_176 = tpu.memref_squeeze %dma_wait3A_175 : memref<1x128xi32, #tpu.memory_space<vmem>> -> memref<128xi32, #tpu.memory_space<vmem>>
      %dma_wait3A_177 = arith.constant 0 : i32
      %dma_wait3A_178 = arith.constant 0 : i32
      %dma_wait3A_179 = tpu.memref_slice %arg4[%dma_wait3A_177, %dma_wait3A_178] : memref<1000000x32xf32, #tpu.memory_space<hbm>> -> memref<1000000x32xf32, #tpu.memory_space<hbm>>
      %dma_wait3A_180 = tpu.memref_slice %arg13[%rem3A_106] : memref<6x!tpu.dma_semaphore, #tpu.memory_space<semaphore_mem>> -> memref<1x!tpu.dma_semaphore, #tpu.memory_space<semaphore_mem>>
      %dma_wait3A_181 = tpu.memref_squeeze %dma_wait3A_180 : memref<1x!tpu.dma_semaphore, #tpu.memory_space<semaphore_mem>> -> memref<!tpu.dma_semaphore, #tpu.memory_space<semaphore_mem>>
      tpu.wait_indirect_dma semaphore(%dma_wait3A_181 : memref<!tpu.dma_semaphore, #tpu.memory_space<semaphore_mem>>) src(%dma_wait3A_179 : memref<1000000x32xf32, #tpu.memory_space<hbm>>) dst(%dma_wait3A_173 : memref<128x32xf32, #tpu.memory_space<vmem>>)
      %dma_wait3A_182 = arith.constant 0 : i32
      %dma_wait3A_183 = arith.constant 0 : i32
      %dma_wait3A_184 = tpu.memref_slice %arg9[%rem3A_112, %dma_wait3A_182, %dma_wait3A_183] : memref<6x128x32xf32, #tpu.memory_space<vmem>> -> memref<1x128x32xf32, #tpu.memory_space<vmem>>
      %dma_wait3A_185 = tpu.memref_squeeze %dma_wait3A_184 : memref<1x128x32xf32, #tpu.memory_space<vmem>> -> memref<128x32xf32, #tpu.memory_space<vmem>>
      %dma_wait3A_186 = arith.constant 0 : i32
      %dma_wait3A_187 = tpu.memref_slice %arg7[%add3A_170, %dma_wait3A_186] : memref<104x128xi32, #tpu.memory_space<vmem>> -> memref<1x128xi32, #tpu.memory_space<vmem>>
      %dma_wait3A_188 = tpu.memref_squeeze %dma_wait3A_187 : memref<1x128xi32, #tpu.memory_space<vmem>> -> memref<128xi32, #tpu.memory_space<vmem>>
      %dma_wait3A_189 = arith.constant 0 : i32
      %dma_wait3A_190 = arith.constant 0 : i32
      %dma_wait3A_191 = tpu.memref_slice %arg4[%dma_wait3A_189, %dma_wait3A_190] : memref<1000000x32xf32, #tpu.memory_space<hbm>> -> memref<1000000x32xf32, #tpu.memory_space<hbm>>
      %dma_wait3A_192 = tpu.memref_slice %arg13[%rem3A_112] : memref<6x!tpu.dma_semaphore, #tpu.memory_space<semaphore_mem>> -> memref<1x!tpu.dma_semaphore, #tpu.memory_space<semaphore_mem>>
      %dma_wait3A_193 = tpu.memref_squeeze %dma_wait3A_192 : memref<1x!tpu.dma_semaphore, #tpu.memory_space<semaphore_mem>> -> memref<!tpu.dma_semaphore, #tpu.memory_space<semaphore_mem>>
      tpu.wait_indirect_dma semaphore(%dma_wait3A_193 : memref<!tpu.dma_semaphore, #tpu.memory_space<semaphore_mem>>) src(%dma_wait3A_191 : memref<1000000x32xf32, #tpu.memory_space<hbm>>) dst(%dma_wait3A_185 : memref<128x32xf32, #tpu.memory_space<vmem>>)
      %jit3A_194 = arith.constant 4 : i32
      %div3A_195 = arith.divsi %scan3A_81, %jit3A_194 : i32
      %sign3A_196 = arith.constant 0 : i32
      %sign3A_197 = arith.cmpi sgt, %scan3A_81, %sign3A_196 : i32
      %sign3A_198 = arith.extui %sign3A_197 : i1 to i32
      %sign3A_199 = arith.constant 0 : i32
      %sign3A_200 = arith.cmpi slt, %scan3A_81, %sign3A_199 : i32
      %sign3A_201 = arith.extui %sign3A_200 : i1 to i32
      %sign3A_202 = arith.subi %sign3A_198, %sign3A_201 : i32
      %sign3A_203 = arith.constant 0 : i32
      %sign3A_204 = arith.cmpi sgt, %jit3A_194, %sign3A_203 : i32
      %sign3A_205 = arith.extui %sign3A_204 : i1 to i32
      %sign3A_206 = arith.constant 0 : i32
      %sign3A_207 = arith.cmpi slt, %jit3A_194, %sign3A_206 : i32
      %sign3A_208 = arith.extui %sign3A_207 : i1 to i32
      %sign3A_209 = arith.subi %sign3A_205, %sign3A_208 : i32
      %ne3A_210 = arith.cmpi ne, %sign3A_202, %sign3A_209 : i32
      %rem3A_211 = arith.remsi %scan3A_81, %jit3A_194 : i32
      %ne3A_212 = arith.constant 0 : i32
      %ne3A_213 = arith.cmpi ne, %rem3A_211, %ne3A_212 : i32
      %and3A_214 = arith.andi %ne3A_210, %ne3A_213 : i1
      %sub3A_215 = arith.constant 1 : i32
      %sub3A_216 = arith.subi %div3A_195, %sub3A_215 : i32
      %select_n3A_217 = arith.select %and3A_214, %sub3A_216, %div3A_195 : i32
      %mul3A_218 = arith.constant 32 : i32
      %mul3A_219 = arith.muli %select_n3A_217, %mul3A_218 : i32
      %add3A_220 = arith.constant 416 : i32
      %add3A_221 = arith.addi %mul3A_219, %add3A_220 : i32
      %get3A_222 = arith.index_cast %mul3A_219 : i32 to index
      %get3A_223 = tpu.vector_load %arg12[%get3A_222] {strides = array<i32>} : memref<848xf32, #tpu.memory_space<vmem>>, vector<16xf32>,
      %add3A_224 = arith.constant 16 : i32
      %add3A_225 = arith.addi %mul3A_219, %add3A_224 : i32
      %get3A_226 = arith.index_cast %add3A_225 : i32 to index
      %get3A_227 = tpu.vector_load %arg12[%get3A_226] {strides = array<i32>} : memref<848xf32, #tpu.memory_space<vmem>>, vector<16xf32>,
      %get3A_228 = arith.index_cast %add3A_221 : i32 to index
      %get3A_229 = tpu.vector_load %arg12[%get3A_228] {strides = array<i32>} : memref<848xf32, #tpu.memory_space<vmem>>, vector<16xf32>,
      %add3A_230 = arith.constant 16 : i32
      %add3A_231 = arith.addi %add3A_221, %add3A_230 : i32
      %get3A_232 = arith.index_cast %add3A_231 : i32 to index
      %get3A_233 = tpu.vector_load %arg12[%get3A_232] {strides = array<i32>} : memref<848xf32, #tpu.memory_space<vmem>>, vector<16xf32>,
      %rem3A_234 = arith.constant 4 : i32
      %rem3A_235 = arith.remsi %scan3A_81, %rem3A_234 : i32
      %mul3A_236 = arith.constant 128 : i32
      %mul3A_237 = arith.muli %rem3A_235, %mul3A_236 : i32
      %scan3A_238 = arith.constant 0 : i32
      %scan3A_239 = arith.constant 0 : i32
      %scan3A_240 = arith.constant 16 : i32
      %scan3A_241 = arith.addi %scan3A_239, %scan3A_240 : i32
      %scan3A_242 = arith.constant 1 : i32
      scf.for %scan3A_244 = %scan3A_239 to %scan3A_241 step %scan3A_242  : i32 {
        %mul3A_245 = arith.constant 8 : i32
        %mul3A_246 = arith.muli %scan3A_244, %mul3A_245 : i32
        %add3A_247 = arith.constant 0 : i32
        %add3A_248 = arith.addi %mul3A_246, %add3A_247 : i32
        %add3A_249 = arith.addi %mul3A_237, %add3A_248 : i32
        %get3A_250 = arith.index_cast %add3A_249 : i32 to index
        %get3A_251 = arith.constant 0 : index
        %get3A_252 = tpu.vector_load %arg11[%get3A_250, %get3A_251] {strides = array<i32>} : memref<512x34xf32, #tpu.memory_space<vmem>>, vector<16xf32>,
        %add3A_253 = arith.addi %mul3A_237, %add3A_248 : i32
        %get3A_254 = arith.index_cast %add3A_253 : i32 to index
        %get3A_255 = arith.constant 16 : index
        %get3A_256 = tpu.vector_load %arg11[%get3A_254, %get3A_255] {strides = array<i32>} : memref<512x34xf32, #tpu.memory_space<vmem>>, vector<16xf32>,
        %get3A_257 = arith.index_cast %rem3A_106 : i32 to index
        %get3A_258 = arith.index_cast %add3A_248 : i32 to index
        %get3A_259 = arith.constant 0 : index
        %get3A_260 = tpu.vector_load %arg9[%get3A_257, %get3A_258, %get3A_259] {strides = array<i32>} : memref<6x128x32xf32, #tpu.memory_space<vmem>>, vector<16xf32>,
        %get3A_261 = arith.index_cast %rem3A_106 : i32 to index
        %get3A_262 = arith.index_cast %add3A_248 : i32 to index
        %get3A_263 = arith.constant 16 : index
        %get3A_264 = tpu.vector_load %arg9[%get3A_261, %get3A_262, %get3A_263] {strides = array<i32>} : memref<6x128x32xf32, #tpu.memory_space<vmem>>, vector<16xf32>,
        %get3A_265 = arith.index_cast %rem3A_112 : i32 to index
        %get3A_266 = arith.index_cast %add3A_248 : i32 to index
        %get3A_267 = arith.constant 0 : index
        %get3A_268 = tpu.vector_load %arg9[%get3A_265, %get3A_266, %get3A_267] {strides = array<i32>} : memref<6x128x32xf32, #tpu.memory_space<vmem>>, vector<16xf32>,
        %get3A_269 = arith.index_cast %rem3A_112 : i32 to index
        %get3A_270 = arith.index_cast %add3A_248 : i32 to index
        %get3A_271 = arith.constant 16 : index
        %get3A_272 = tpu.vector_load %arg9[%get3A_269, %get3A_270, %get3A_271] {strides = array<i32>} : memref<6x128x32xf32, #tpu.memory_space<vmem>>, vector<16xf32>,
        %mul3A_273 = arith.mulf %get3A_260, %get3A_223 : vector<16xf32>
        %add3A_274 = arith.addf %get3A_252, %mul3A_273 : vector<16xf32>
        %mul3A_275 = arith.mulf %get3A_268, %get3A_229 : vector<16xf32>
        %add3A_276 = arith.addf %add3A_274, %mul3A_275 : vector<16xf32>
        %add3A_277 = arith.addi %mul3A_237, %add3A_248 : i32
        %swap3A = arith.index_cast %add3A_277 : i32 to index
        %swap3A_278 = arith.constant 0 : index
        %swap3A_279 = tpu.vector_load %arg11[%swap3A, %swap3A_278] {strides = array<i32>} : memref<512x34xf32, #tpu.memory_space<vmem>>, vector<16xf32>,
        tpu.vector_store %arg11[%swap3A, %swap3A_278], %add3A_276 {strides = array<i32>} : memref<512x34xf32, #tpu.memory_space<vmem>>, vector<16xf32>,
        %mul3A_280 = arith.mulf %get3A_264, %get3A_227 : vector<16xf32>
        %add3A_281 = arith.addf %get3A_256, %mul3A_280 : vector<16xf32>
        %mul3A_282 = arith.mulf %get3A_272, %get3A_233 : vector<16xf32>
        %add3A_283 = arith.addf %add3A_281, %mul3A_282 : vector<16xf32>
        %add3A_284 = arith.addi %mul3A_237, %add3A_248 : i32
        %swap3A_285 = arith.index_cast %add3A_284 : i32 to index
        %swap3A_286 = arith.constant 16 : index
        %swap3A_287 = tpu.vector_load %arg11[%swap3A_285, %swap3A_286] {strides = array<i32>} : memref<512x34xf32, #tpu.memory_space<vmem>>, vector<16xf32>,
        tpu.vector_store %arg11[%swap3A_285, %swap3A_286], %add3A_283 {strides = array<i32>} : memref<512x34xf32, #tpu.memory_space<vmem>>, vector<16xf32>,
        %mul3A_288 = arith.constant 8 : i32
        %mul3A_289 = arith.muli %scan3A_244, %mul3A_288 : i32
        %add3A_290 = arith.constant 1 : i32
        %add3A_291 = arith.addi %mul3A_289, %add3A_290 : i32
        %add3A_292 = arith.addi %mul3A_237, %add3A_291 : i32
        %get3A_293 = arith.index_cast %add3A_292 : i32 to index
        %get3A_294 = arith.constant 0 : index
        %get3A_295 = tpu.vector_load %arg11[%get3A_293, %get3A_294] {strides = array<i32>} : memref<512x34xf32, #tpu.memory_space<vmem>>, vector<16xf32>,
        %add3A_296 = arith.addi %mul3A_237, %add3A_291 : i32
        %get3A_297 = arith.index_cast %add3A_296 : i32 to index
        %get3A_298 = arith.constant 16 : index
        %get3A_299 = tpu.vector_load %arg11[%get3A_297, %get3A_298] {strides = array<i32>} : memref<512x34xf32, #tpu.memory_space<vmem>>, vector<16xf32>,
        %get3A_300 = arith.index_cast %rem3A_106 : i32 to index
        %get3A_301 = arith.index_cast %add3A_291 : i32 to index
        %get3A_302 = arith.constant 0 : index
        %get3A_303 = tpu.vector_load %arg9[%get3A_300, %get3A_301, %get3A_302] {strides = array<i32>} : memref<6x128x32xf32, #tpu.memory_space<vmem>>, vector<16xf32>,
        %get3A_304 = arith.index_cast %rem3A_106 : i32 to index
        %get3A_305 = arith.index_cast %add3A_291 : i32 to index
        %get3A_306 = arith.constant 16 : index
        %get3A_307 = tpu.vector_load %arg9[%get3A_304, %get3A_305, %get3A_306] {strides = array<i32>} : memref<6x128x32xf32, #tpu.memory_space<vmem>>, vector<16xf32>,
        %get3A_308 = arith.index_cast %rem3A_112 : i32 to index
        %get3A_309 = arith.index_cast %add3A_291 : i32 to index
        %get3A_310 = arith.constant 0 : index
        %get3A_311 = tpu.vector_load %arg9[%get3A_308, %get3A_309, %get3A_310] {strides = array<i32>} : memref<6x128x32xf32, #tpu.memory_space<vmem>>, vector<16xf32>,
        %get3A_312 = arith.index_cast %rem3A_112 : i32 to index
        %get3A_313 = arith.index_cast %add3A_291 : i32 to index
        %get3A_314 = arith.constant 16 : index
        %get3A_315 = tpu.vector_load %arg9[%get3A_312, %get3A_313, %get3A_314] {strides = array<i32>} : memref<6x128x32xf32, #tpu.memory_space<vmem>>, vector<16xf32>,
        %mul3A_316 = arith.mulf %get3A_303, %get3A_223 : vector<16xf32>
        %add3A_317 = arith.addf %get3A_295, %mul3A_316 : vector<16xf32>
        %mul3A_318 = arith.mulf %get3A_311, %get3A_229 : vector<16xf32>
        %add3A_319 = arith.addf %add3A_317, %mul3A_318 : vector<16xf32>
        %add3A_320 = arith.addi %mul3A_237, %add3A_291 : i32
        %swap3A_321 = arith.index_cast %add3A_320 : i32 to index
        %swap3A_322 = arith.constant 0 : index
        %swap3A_323 = tpu.vector_load %arg11[%swap3A_321, %swap3A_322] {strides = array<i32>} : memref<512x34xf32, #tpu.memory_space<vmem>>, vector<16xf32>,
        tpu.vector_store %arg11[%swap3A_321, %swap3A_322], %add3A_319 {strides = array<i32>} : memref<512x34xf32, #tpu.memory_space<vmem>>, vector<16xf32>,
        %mul3A_324 = arith.mulf %get3A_307, %get3A_227 : vector<16xf32>
        %add3A_325 = arith.addf %get3A_299, %mul3A_324 : vector<16xf32>
        %mul3A_326 = arith.mulf %get3A_315, %get3A_233 : vector<16xf32>
        %add3A_327 = arith.addf %add3A_325, %mul3A_326 : vector<16xf32>
        %add3A_328 = arith.addi %mul3A_237, %add3A_291 : i32
        %swap3A_329 = arith.index_cast %add3A_328 : i32 to index
        %swap3A_330 = arith.constant 16 : index
        %swap3A_331 = tpu.vector_load %arg11[%swap3A_329, %swap3A_330] {strides = array<i32>} : memref<512x34xf32, #tpu.memory_space<vmem>>, vector<16xf32>,
        tpu.vector_store %arg11[%swap3A_329, %swap3A_330], %add3A_327 {strides = array<i32>} : memref<512x34xf32, #tpu.memory_space<vmem>>, vector<16xf32>,
        %mul3A_332 = arith.constant 8 : i32
        %mul3A_333 = arith.muli %scan3A_244, %mul3A_332 : i32
        %add3A_334 = arith.constant 2 : i32
        %add3A_335 = arith.addi %mul3A_333, %add3A_334 : i32
        %add3A_336 = arith.addi %mul3A_237, %add3A_335 : i32
        %get3A_337 = arith.index_cast %add3A_336 : i32 to index
        %get3A_338 = arith.constant 0 : index
        %get3A_339 = tpu.vector_load %arg11[%get3A_337, %get3A_338] {strides = array<i32>} : memref<512x34xf32, #tpu.memory_space<vmem>>, vector<16xf32>,
        %add3A_340 = arith.addi %mul3A_237, %add3A_335 : i32
        %get3A_341 = arith.index_cast %add3A_340 : i32 to index
        %get3A_342 = arith.constant 16 : index
        %get3A_343 = tpu.vector_load %arg11[%get3A_341, %get3A_342] {strides = array<i32>} : memref<512x34xf32, #tpu.memory_space<vmem>>, vector<16xf32>,
        %get3A_344 = arith.index_cast %rem3A_106 : i32 to index
        %get3A_345 = arith.index_cast %add3A_335 : i32 to index
        %get3A_346 = arith.constant 0 : index
        %get3A_347 = tpu.vector_load %arg9[%get3A_344, %get3A_345, %get3A_346] {strides = array<i32>} : memref<6x128x32xf32, #tpu.memory_space<vmem>>, vector<16xf32>,
        %get3A_348 = arith.index_cast %rem3A_106 : i32 to index
        %get3A_349 = arith.index_cast %add3A_335 : i32 to index
        %get3A_350 = arith.constant 16 : index
        %get3A_351 = tpu.vector_load %arg9[%get3A_348, %get3A_349, %get3A_350] {strides = array<i32>} : memref<6x128x32xf32, #tpu.memory_space<vmem>>, vector<16xf32>,
        %get3A_352 = arith.index_cast %rem3A_112 : i32 to index
        %get3A_353 = arith.index_cast %add3A_335 : i32 to index
        %get3A_354 = arith.constant 0 : index
        %get3A_355 = tpu.vector_load %arg9[%get3A_352, %get3A_353, %get3A_354] {strides = array<i32>} : memref<6x128x32xf32, #tpu.memory_space<vmem>>, vector<16xf32>,
        %get3A_356 = arith.index_cast %rem3A_112 : i32 to index
        %get3A_357 = arith.index_cast %add3A_335 : i32 to index
        %get3A_358 = arith.constant 16 : index
        %get3A_359 = tpu.vector_load %arg9[%get3A_356, %get3A_357, %get3A_358] {strides = array<i32>} : memref<6x128x32xf32, #tpu.memory_space<vmem>>, vector<16xf32>,
        %mul3A_360 = arith.mulf %get3A_347, %get3A_223 : vector<16xf32>
        %add3A_361 = arith.addf %get3A_339, %mul3A_360 : vector<16xf32>
        %mul3A_362 = arith.mulf %get3A_355, %get3A_229 : vector<16xf32>
        %add3A_363 = arith.addf %add3A_361, %mul3A_362 : vector<16xf32>
        %add3A_364 = arith.addi %mul3A_237, %add3A_335 : i32
        %swap3A_365 = arith.index_cast %add3A_364 : i32 to index
        %swap3A_366 = arith.constant 0 : index
        %swap3A_367 = tpu.vector_load %arg11[%swap3A_365, %swap3A_366] {strides = array<i32>} : memref<512x34xf32, #tpu.memory_space<vmem>>, vector<16xf32>,
        tpu.vector_store %arg11[%swap3A_365, %swap3A_366], %add3A_363 {strides = array<i32>} : memref<512x34xf32, #tpu.memory_space<vmem>>, vector<16xf32>,
        %mul3A_368 = arith.mulf %get3A_351, %get3A_227 : vector<16xf32>
        %add3A_369 = arith.addf %get3A_343, %mul3A_368 : vector<16xf32>
        %mul3A_370 = arith.mulf %get3A_359, %get3A_233 : vector<16xf32>
        %add3A_371 = arith.addf %add3A_369, %mul3A_370 : vector<16xf32>
        %add3A_372 = arith.addi %mul3A_237, %add3A_335 : i32
        %swap3A_373 = arith.index_cast %add3A_372 : i32 to index
        %swap3A_374 = arith.constant 16 : index
        %swap3A_375 = tpu.vector_load %arg11[%swap3A_373, %swap3A_374] {strides = array<i32>} : memref<512x34xf32, #tpu.memory_space<vmem>>, vector<16xf32>,
        tpu.vector_store %arg11[%swap3A_373, %swap3A_374], %add3A_371 {strides = array<i32>} : memref<512x34xf32, #tpu.memory_space<vmem>>, vector<16xf32>,
        %mul3A_376 = arith.constant 8 : i32
        %mul3A_377 = arith.muli %scan3A_244, %mul3A_376 : i32
        %add3A_378 = arith.constant 3 : i32
        %add3A_379 = arith.addi %mul3A_377, %add3A_378 : i32
        %add3A_380 = arith.addi %mul3A_237, %add3A_379 : i32
        %get3A_381 = arith.index_cast %add3A_380 : i32 to index
        %get3A_382 = arith.constant 0 : index
        %get3A_383 = tpu.vector_load %arg11[%get3A_381, %get3A_382] {strides = array<i32>} : memref<512x34xf32, #tpu.memory_space<vmem>>, vector<16xf32>,
        %add3A_384 = arith.addi %mul3A_237, %add3A_379 : i32
        %get3A_385 = arith.index_cast %add3A_384 : i32 to index
        %get3A_386 = arith.constant 16 : index
        %get3A_387 = tpu.vector_load %arg11[%get3A_385, %get3A_386] {strides = array<i32>} : memref<512x34xf32, #tpu.memory_space<vmem>>, vector<16xf32>,
        %get3A_388 = arith.index_cast %rem3A_106 : i32 to index
        %get3A_389 = arith.index_cast %add3A_379 : i32 to index
        %get3A_390 = arith.constant 0 : index
        %get3A_391 = tpu.vector_load %arg9[%get3A_388, %get3A_389, %get3A_390] {strides = array<i32>} : memref<6x128x32xf32, #tpu.memory_space<vmem>>, vector<16xf32>,
        %get3A_392 = arith.index_cast %rem3A_106 : i32 to index
        %get3A_393 = arith.index_cast %add3A_379 : i32 to index
        %get3A_394 = arith.constant 16 : index
        %get3A_395 = tpu.vector_load %arg9[%get3A_392, %get3A_393, %get3A_394] {strides = array<i32>} : memref<6x128x32xf32, #tpu.memory_space<vmem>>, vector<16xf32>,
        %get3A_396 = arith.index_cast %rem3A_112 : i32 to index
        %get3A_397 = arith.index_cast %add3A_379 : i32 to index
        %get3A_398 = arith.constant 0 : index
        %get3A_399 = tpu.vector_load %arg9[%get3A_396, %get3A_397, %get3A_398] {strides = array<i32>} : memref<6x128x32xf32, #tpu.memory_space<vmem>>, vector<16xf32>,
        %get3A_400 = arith.index_cast %rem3A_112 : i32 to index
        %get3A_401 = arith.index_cast %add3A_379 : i32 to index
        %get3A_402 = arith.constant 16 : index
        %get3A_403 = tpu.vector_load %arg9[%get3A_400, %get3A_401, %get3A_402] {strides = array<i32>} : memref<6x128x32xf32, #tpu.memory_space<vmem>>, vector<16xf32>,
        %mul3A_404 = arith.mulf %get3A_391, %get3A_223 : vector<16xf32>
        %add3A_405 = arith.addf %get3A_383, %mul3A_404 : vector<16xf32>
        %mul3A_406 = arith.mulf %get3A_399, %get3A_229 : vector<16xf32>
        %add3A_407 = arith.addf %add3A_405, %mul3A_406 : vector<16xf32>
        %add3A_408 = arith.addi %mul3A_237, %add3A_379 : i32
        %swap3A_409 = arith.index_cast %add3A_408 : i32 to index
        %swap3A_410 = arith.constant 0 : index
        %swap3A_411 = tpu.vector_load %arg11[%swap3A_409, %swap3A_410] {strides = array<i32>} : memref<512x34xf32, #tpu.memory_space<vmem>>, vector<16xf32>,
        tpu.vector_store %arg11[%swap3A_409, %swap3A_410], %add3A_407 {strides = array<i32>} : memref<512x34xf32, #tpu.memory_space<vmem>>, vector<16xf32>,
        %mul3A_412 = arith.mulf %get3A_395, %get3A_227 : vector<16xf32>
        %add3A_413 = arith.addf %get3A_387, %mul3A_412 : vector<16xf32>
        %mul3A_414 = arith.mulf %get3A_403, %get3A_233 : vector<16xf32>
        %add3A_415 = arith.addf %add3A_413, %mul3A_414 : vector<16xf32>
        %add3A_416 = arith.addi %mul3A_237, %add3A_379 : i32
        %swap3A_417 = arith.index_cast %add3A_416 : i32 to index
        %swap3A_418 = arith.constant 16 : index
        %swap3A_419 = tpu.vector_load %arg11[%swap3A_417, %swap3A_418] {strides = array<i32>} : memref<512x34xf32, #tpu.memory_space<vmem>>, vector<16xf32>,
        tpu.vector_store %arg11[%swap3A_417, %swap3A_418], %add3A_415 {strides = array<i32>} : memref<512x34xf32, #tpu.memory_space<vmem>>, vector<16xf32>,
        %mul3A_420 = arith.constant 8 : i32
        %mul3A_421 = arith.muli %scan3A_244, %mul3A_420 : i32
        %add3A_422 = arith.constant 4 : i32
        %add3A_423 = arith.addi %mul3A_421, %add3A_422 : i32
        %add3A_424 = arith.addi %mul3A_237, %add3A_423 : i32
        %get3A_425 = arith.index_cast %add3A_424 : i32 to index
        %get3A_426 = arith.constant 0 : index
        %get3A_427 = tpu.vector_load %arg11[%get3A_425, %get3A_426] {strides = array<i32>} : memref<512x34xf32, #tpu.memory_space<vmem>>, vector<16xf32>,
        %add3A_428 = arith.addi %mul3A_237, %add3A_423 : i32
        %get3A_429 = arith.index_cast %add3A_428 : i32 to index
        %get3A_430 = arith.constant 16 : index
        %get3A_431 = tpu.vector_load %arg11[%get3A_429, %get3A_430] {strides = array<i32>} : memref<512x34xf32, #tpu.memory_space<vmem>>, vector<16xf32>,
        %get3A_432 = arith.index_cast %rem3A_106 : i32 to index
        %get3A_433 = arith.index_cast %add3A_423 : i32 to index
        %get3A_434 = arith.constant 0 : index
        %get3A_435 = tpu.vector_load %arg9[%get3A_432, %get3A_433, %get3A_434] {strides = array<i32>} : memref<6x128x32xf32, #tpu.memory_space<vmem>>, vector<16xf32>,
        %get3A_436 = arith.index_cast %rem3A_106 : i32 to index
        %get3A_437 = arith.index_cast %add3A_423 : i32 to index
        %get3A_438 = arith.constant 16 : index
        %get3A_439 = tpu.vector_load %arg9[%get3A_436, %get3A_437, %get3A_438] {strides = array<i32>} : memref<6x128x32xf32, #tpu.memory_space<vmem>>, vector<16xf32>,
        %get3A_440 = arith.index_cast %rem3A_112 : i32 to index
        %get3A_441 = arith.index_cast %add3A_423 : i32 to index
        %get3A_442 = arith.constant 0 : index
        %get3A_443 = tpu.vector_load %arg9[%get3A_440, %get3A_441, %get3A_442] {strides = array<i32>} : memref<6x128x32xf32, #tpu.memory_space<vmem>>, vector<16xf32>,
        %get3A_444 = arith.index_cast %rem3A_112 : i32 to index
        %get3A_445 = arith.index_cast %add3A_423 : i32 to index
        %get3A_446 = arith.constant 16 : index
        %get3A_447 = tpu.vector_load %arg9[%get3A_444, %get3A_445, %get3A_446] {strides = array<i32>} : memref<6x128x32xf32, #tpu.memory_space<vmem>>, vector<16xf32>,
        %mul3A_448 = arith.mulf %get3A_435, %get3A_223 : vector<16xf32>
        %add3A_449 = arith.addf %get3A_427, %mul3A_448 : vector<16xf32>
        %mul3A_450 = arith.mulf %get3A_443, %get3A_229 : vector<16xf32>
        %add3A_451 = arith.addf %add3A_449, %mul3A_450 : vector<16xf32>
        %add3A_452 = arith.addi %mul3A_237, %add3A_423 : i32
        %swap3A_453 = arith.index_cast %add3A_452 : i32 to index
        %swap3A_454 = arith.constant 0 : index
        %swap3A_455 = tpu.vector_load %arg11[%swap3A_453, %swap3A_454] {strides = array<i32>} : memref<512x34xf32, #tpu.memory_space<vmem>>, vector<16xf32>,
        tpu.vector_store %arg11[%swap3A_453, %swap3A_454], %add3A_451 {strides = array<i32>} : memref<512x34xf32, #tpu.memory_space<vmem>>, vector<16xf32>,
        %mul3A_456 = arith.mulf %get3A_439, %get3A_227 : vector<16xf32>
        %add3A_457 = arith.addf %get3A_431, %mul3A_456 : vector<16xf32>
        %mul3A_458 = arith.mulf %get3A_447, %get3A_233 : vector<16xf32>
        %add3A_459 = arith.addf %add3A_457, %mul3A_458 : vector<16xf32>
        %add3A_460 = arith.addi %mul3A_237, %add3A_423 : i32
        %swap3A_461 = arith.index_cast %add3A_460 : i32 to index
        %swap3A_462 = arith.constant 16 : index
        %swap3A_463 = tpu.vector_load %arg11[%swap3A_461, %swap3A_462] {strides = array<i32>} : memref<512x34xf32, #tpu.memory_space<vmem>>, vector<16xf32>,
        tpu.vector_store %arg11[%swap3A_461, %swap3A_462], %add3A_459 {strides = array<i32>} : memref<512x34xf32, #tpu.memory_space<vmem>>, vector<16xf32>,
        %mul3A_464 = arith.constant 8 : i32
        %mul3A_465 = arith.muli %scan3A_244, %mul3A_464 : i32
        %add3A_466 = arith.constant 5 : i32
        %add3A_467 = arith.addi %mul3A_465, %add3A_466 : i32
        %add3A_468 = arith.addi %mul3A_237, %add3A_467 : i32
        %get3A_469 = arith.index_cast %add3A_468 : i32 to index
        %get3A_470 = arith.constant 0 : index
        %get3A_471 = tpu.vector_load %arg11[%get3A_469, %get3A_470] {strides = array<i32>} : memref<512x34xf32, #tpu.memory_space<vmem>>, vector<16xf32>,
        %add3A_472 = arith.addi %mul3A_237, %add3A_467 : i32
        %get3A_473 = arith.index_cast %add3A_472 : i32 to index
        %get3A_474 = arith.constant 16 : index
        %get3A_475 = tpu.vector_load %arg11[%get3A_473, %get3A_474] {strides = array<i32>} : memref<512x34xf32, #tpu.memory_space<vmem>>, vector<16xf32>,
        %get3A_476 = arith.index_cast %rem3A_106 : i32 to index
        %get3A_477 = arith.index_cast %add3A_467 : i32 to index
        %get3A_478 = arith.constant 0 : index
        %get3A_479 = tpu.vector_load %arg9[%get3A_476, %get3A_477, %get3A_478] {strides = array<i32>} : memref<6x128x32xf32, #tpu.memory_space<vmem>>, vector<16xf32>,
        %get3A_480 = arith.index_cast %rem3A_106 : i32 to index
        %get3A_481 = arith.index_cast %add3A_467 : i32 to index
        %get3A_482 = arith.constant 16 : index
        %get3A_483 = tpu.vector_load %arg9[%get3A_480, %get3A_481, %get3A_482] {strides = array<i32>} : memref<6x128x32xf32, #tpu.memory_space<vmem>>, vector<16xf32>,
        %get3A_484 = arith.index_cast %rem3A_112 : i32 to index
        %get3A_485 = arith.index_cast %add3A_467 : i32 to index
        %get3A_486 = arith.constant 0 : index
        %get3A_487 = tpu.vector_load %arg9[%get3A_484, %get3A_485, %get3A_486] {strides = array<i32>} : memref<6x128x32xf32, #tpu.memory_space<vmem>>, vector<16xf32>,
        %get3A_488 = arith.index_cast %rem3A_112 : i32 to index
        %get3A_489 = arith.index_cast %add3A_467 : i32 to index
        %get3A_490 = arith.constant 16 : index
        %get3A_491 = tpu.vector_load %arg9[%get3A_488, %get3A_489, %get3A_490] {strides = array<i32>} : memref<6x128x32xf32, #tpu.memory_space<vmem>>, vector<16xf32>,
        %mul3A_492 = arith.mulf %get3A_479, %get3A_223 : vector<16xf32>
        %add3A_493 = arith.addf %get3A_471, %mul3A_492 : vector<16xf32>
        %mul3A_494 = arith.mulf %get3A_487, %get3A_229 : vector<16xf32>
        %add3A_495 = arith.addf %add3A_493, %mul3A_494 : vector<16xf32>
        %add3A_496 = arith.addi %mul3A_237, %add3A_467 : i32
        %swap3A_497 = arith.index_cast %add3A_496 : i32 to index
        %swap3A_498 = arith.constant 0 : index
        %swap3A_499 = tpu.vector_load %arg11[%swap3A_497, %swap3A_498] {strides = array<i32>} : memref<512x34xf32, #tpu.memory_space<vmem>>, vector<16xf32>,
        tpu.vector_store %arg11[%swap3A_497, %swap3A_498], %add3A_495 {strides = array<i32>} : memref<512x34xf32, #tpu.memory_space<vmem>>, vector<16xf32>,
        %mul3A_500 = arith.mulf %get3A_483, %get3A_227 : vector<16xf32>
        %add3A_501 = arith.addf %get3A_475, %mul3A_500 : vector<16xf32>
        %mul3A_502 = arith.mulf %get3A_491, %get3A_233 : vector<16xf32>
        %add3A_503 = arith.addf %add3A_501, %mul3A_502 : vector<16xf32>
        %add3A_504 = arith.addi %mul3A_237, %add3A_467 : i32
        %swap3A_505 = arith.index_cast %add3A_504 : i32 to index
        %swap3A_506 = arith.constant 16 : index
        %swap3A_507 = tpu.vector_load %arg11[%swap3A_505, %swap3A_506] {strides = array<i32>} : memref<512x34xf32, #tpu.memory_space<vmem>>, vector<16xf32>,
        tpu.vector_store %arg11[%swap3A_505, %swap3A_506], %add3A_503 {strides = array<i32>} : memref<512x34xf32, #tpu.memory_space<vmem>>, vector<16xf32>,
        %mul3A_508 = arith.constant 8 : i32
        %mul3A_509 = arith.muli %scan3A_244, %mul3A_508 : i32
        %add3A_510 = arith.constant 6 : i32
        %add3A_511 = arith.addi %mul3A_509, %add3A_510 : i32
        %add3A_512 = arith.addi %mul3A_237, %add3A_511 : i32
        %get3A_513 = arith.index_cast %add3A_512 : i32 to index
        %get3A_514 = arith.constant 0 : index
        %get3A_515 = tpu.vector_load %arg11[%get3A_513, %get3A_514] {strides = array<i32>} : memref<512x34xf32, #tpu.memory_space<vmem>>, vector<16xf32>,
        %add3A_516 = arith.addi %mul3A_237, %add3A_511 : i32
        %get3A_517 = arith.index_cast %add3A_516 : i32 to index
        %get3A_518 = arith.constant 16 : index
        %get3A_519 = tpu.vector_load %arg11[%get3A_517, %get3A_518] {strides = array<i32>} : memref<512x34xf32, #tpu.memory_space<vmem>>, vector<16xf32>,
        %get3A_520 = arith.index_cast %rem3A_106 : i32 to index
        %get3A_521 = arith.index_cast %add3A_511 : i32 to index
        %get3A_522 = arith.constant 0 : index
        %get3A_523 = tpu.vector_load %arg9[%get3A_520, %get3A_521, %get3A_522] {strides = array<i32>} : memref<6x128x32xf32, #tpu.memory_space<vmem>>, vector<16xf32>,
        %get3A_524 = arith.index_cast %rem3A_106 : i32 to index
        %get3A_525 = arith.index_cast %add3A_511 : i32 to index
        %get3A_526 = arith.constant 16 : index
        %get3A_527 = tpu.vector_load %arg9[%get3A_524, %get3A_525, %get3A_526] {strides = array<i32>} : memref<6x128x32xf32, #tpu.memory_space<vmem>>, vector<16xf32>,
        %get3A_528 = arith.index_cast %rem3A_112 : i32 to index
        %get3A_529 = arith.index_cast %add3A_511 : i32 to index
        %get3A_530 = arith.constant 0 : index
        %get3A_531 = tpu.vector_load %arg9[%get3A_528, %get3A_529, %get3A_530] {strides = array<i32>} : memref<6x128x32xf32, #tpu.memory_space<vmem>>, vector<16xf32>,
        %get3A_532 = arith.index_cast %rem3A_112 : i32 to index
        %get3A_533 = arith.index_cast %add3A_511 : i32 to index
        %get3A_534 = arith.constant 16 : index
        %get3A_535 = tpu.vector_load %arg9[%get3A_532, %get3A_533, %get3A_534] {strides = array<i32>} : memref<6x128x32xf32, #tpu.memory_space<vmem>>, vector<16xf32>,
        %mul3A_536 = arith.mulf %get3A_523, %get3A_223 : vector<16xf32>
        %add3A_537 = arith.addf %get3A_515, %mul3A_536 : vector<16xf32>
        %mul3A_538 = arith.mulf %get3A_531, %get3A_229 : vector<16xf32>
        %add3A_539 = arith.addf %add3A_537, %mul3A_538 : vector<16xf32>
        %add3A_540 = arith.addi %mul3A_237, %add3A_511 : i32
        %swap3A_541 = arith.index_cast %add3A_540 : i32 to index
        %swap3A_542 = arith.constant 0 : index
        %swap3A_543 = tpu.vector_load %arg11[%swap3A_541, %swap3A_542] {strides = array<i32>} : memref<512x34xf32, #tpu.memory_space<vmem>>, vector<16xf32>,
        tpu.vector_store %arg11[%swap3A_541, %swap3A_542], %add3A_539 {strides = array<i32>} : memref<512x34xf32, #tpu.memory_space<vmem>>, vector<16xf32>,
        %mul3A_544 = arith.mulf %get3A_527, %get3A_227 : vector<16xf32>
        %add3A_545 = arith.addf %get3A_519, %mul3A_544 : vector<16xf32>
        %mul3A_546 = arith.mulf %get3A_535, %get3A_233 : vector<16xf32>
        %add3A_547 = arith.addf %add3A_545, %mul3A_546 : vector<16xf32>
        %add3A_548 = arith.addi %mul3A_237, %add3A_511 : i32
        %swap3A_549 = arith.index_cast %add3A_548 : i32 to index
        %swap3A_550 = arith.constant 16 : index
        %swap3A_551 = tpu.vector_load %arg11[%swap3A_549, %swap3A_550] {strides = array<i32>} : memref<512x34xf32, #tpu.memory_space<vmem>>, vector<16xf32>,
        tpu.vector_store %arg11[%swap3A_549, %swap3A_550], %add3A_547 {strides = array<i32>} : memref<512x34xf32, #tpu.memory_space<vmem>>, vector<16xf32>,
        %mul3A_552 = arith.constant 8 : i32
        %mul3A_553 = arith.muli %scan3A_244, %mul3A_552 : i32
        %add3A_554 = arith.constant 7 : i32
        %add3A_555 = arith.addi %mul3A_553, %add3A_554 : i32
        %add3A_556 = arith.addi %mul3A_237, %add3A_555 : i32
        %get3A_557 = arith.index_cast %add3A_556 : i32 to index
        %get3A_558 = arith.constant 0 : index
        %get3A_559 = tpu.vector_load %arg11[%get3A_557, %get3A_558] {strides = array<i32>} : memref<512x34xf32, #tpu.memory_space<vmem>>, vector<16xf32>,
        %add3A_560 = arith.addi %mul3A_237, %add3A_555 : i32
        %get3A_561 = arith.index_cast %add3A_560 : i32 to index
        %get3A_562 = arith.constant 16 : index
        %get3A_563 = tpu.vector_load %arg11[%get3A_561, %get3A_562] {strides = array<i32>} : memref<512x34xf32, #tpu.memory_space<vmem>>, vector<16xf32>,
        %get3A_564 = arith.index_cast %rem3A_106 : i32 to index
        %get3A_565 = arith.index_cast %add3A_555 : i32 to index
        %get3A_566 = arith.constant 0 : index
        %get3A_567 = tpu.vector_load %arg9[%get3A_564, %get3A_565, %get3A_566] {strides = array<i32>} : memref<6x128x32xf32, #tpu.memory_space<vmem>>, vector<16xf32>,
        %get3A_568 = arith.index_cast %rem3A_106 : i32 to index
        %get3A_569 = arith.index_cast %add3A_555 : i32 to index
        %get3A_570 = arith.constant 16 : index
        %get3A_571 = tpu.vector_load %arg9[%get3A_568, %get3A_569, %get3A_570] {strides = array<i32>} : memref<6x128x32xf32, #tpu.memory_space<vmem>>, vector<16xf32>,
        %get3A_572 = arith.index_cast %rem3A_112 : i32 to index
        %get3A_573 = arith.index_cast %add3A_555 : i32 to index
        %get3A_574 = arith.constant 0 : index
        %get3A_575 = tpu.vector_load %arg9[%get3A_572, %get3A_573, %get3A_574] {strides = array<i32>} : memref<6x128x32xf32, #tpu.memory_space<vmem>>, vector<16xf32>,
        %get3A_576 = arith.index_cast %rem3A_112 : i32 to index
        %get3A_577 = arith.index_cast %add3A_555 : i32 to index
        %get3A_578 = arith.constant 16 : index
        %get3A_579 = tpu.vector_load %arg9[%get3A_576, %get3A_577, %get3A_578] {strides = array<i32>} : memref<6x128x32xf32, #tpu.memory_space<vmem>>, vector<16xf32>,
        %mul3A_580 = arith.mulf %get3A_567, %get3A_223 : vector<16xf32>
        %add3A_581 = arith.addf %get3A_559, %mul3A_580 : vector<16xf32>
        %mul3A_582 = arith.mulf %get3A_575, %get3A_229 : vector<16xf32>
        %add3A_583 = arith.addf %add3A_581, %mul3A_582 : vector<16xf32>
        %add3A_584 = arith.addi %mul3A_237, %add3A_555 : i32
        %swap3A_585 = arith.index_cast %add3A_584 : i32 to index
        %swap3A_586 = arith.constant 0 : index
        %swap3A_587 = tpu.vector_load %arg11[%swap3A_585, %swap3A_586] {strides = array<i32>} : memref<512x34xf32, #tpu.memory_space<vmem>>, vector<16xf32>,
        tpu.vector_store %arg11[%swap3A_585, %swap3A_586], %add3A_583 {strides = array<i32>} : memref<512x34xf32, #tpu.memory_space<vmem>>, vector<16xf32>,
        %mul3A_588 = arith.mulf %get3A_571, %get3A_227 : vector<16xf32>
        %add3A_589 = arith.addf %get3A_563, %mul3A_588 : vector<16xf32>
        %mul3A_590 = arith.mulf %get3A_579, %get3A_233 : vector<16xf32>
        %add3A_591 = arith.addf %add3A_589, %mul3A_590 : vector<16xf32>
        %add3A_592 = arith.addi %mul3A_237, %add3A_555 : i32
        %swap3A_593 = arith.index_cast %add3A_592 : i32 to index
        %swap3A_594 = arith.constant 16 : index
        %swap3A_595 = tpu.vector_load %arg11[%swap3A_593, %swap3A_594] {strides = array<i32>} : memref<512x34xf32, #tpu.memory_space<vmem>>, vector<16xf32>,
        tpu.vector_store %arg11[%swap3A_593, %swap3A_594], %add3A_591 {strides = array<i32>} : memref<512x34xf32, #tpu.memory_space<vmem>>, vector<16xf32>,
      }
      %scan3A_243 = arith.constant 16 : i32
    }
    %scan3A_74 = arith.constant 52 : i32
    %scan3A_75 = arith.constant 0 : i32
    %scan3A_76 = arith.constant 0 : i32
    %scan3A_77 = arith.constant 32 : i32
    %scan3A_78 = arith.addi %scan3A_76, %scan3A_77 : i32
    %scan3A_79 = arith.constant 1 : i32
    scf.for %scan3A_81 = %scan3A_76 to %scan3A_78 step %scan3A_79  : i32 {
      %mul3A_82 = arith.constant 16 : i32
      %mul3A_83 = arith.muli %scan3A_81, %mul3A_82 : i32
      %add3A_84 = vector.broadcast %mul3A_83 : i32 to vector<16xi32>
      %add3A_85 = arith.addi %add3A_84, %iota3A : vector<16xi32>
      %broadcast_in_dim3A_86 = arith.constant 0.000000e+00 : f32
      %broadcast_in_dim3A_87 = vector.broadcast %broadcast_in_dim3A_86 : f32 to vector<16xf32>
      %broadcast_in_dim3A_88 = arith.constant 0 : i32
      %broadcast_in_dim3A_89 = vector.broadcast %broadcast_in_dim3A_88 : i32 to vector<16xi32>
      %gather3A = tpu.vector_load_idx %arg11[%add3A_85, %broadcast_in_dim3A_89] : memref<512x34xf32, #tpu.memory_space<vmem>>[vector<16xi32>, vector<16xi32>], vector<16xf32>,
      %add3A_90 = arith.addf %broadcast_in_dim3A_87, %gather3A : vector<16xf32>
      %broadcast_in_dim3A_91 = arith.constant 1 : i32
      %broadcast_in_dim3A_92 = vector.broadcast %broadcast_in_dim3A_91 : i32 to vector<16xi32>
      %gather3A_93 = tpu.vector_load_idx %arg11[%add3A_85, %broadcast_in_dim3A_92] : memref<512x34xf32, #tpu.memory_space<vmem>>[vector<16xi32>, vector<16xi32>], vector<16xf32>,
      %add3A_94 = arith.addf %add3A_90, %gather3A_93 : vector<16xf32>
      %broadcast_in_dim3A_95 = arith.constant 2 : i32
      %broadcast_in_dim3A_96 = vector.broadcast %broadcast_in_dim3A_95 : i32 to vector<16xi32>
      %gather3A_97 = tpu.vector_load_idx %arg11[%add3A_85, %broadcast_in_dim3A_96] : memref<512x34xf32, #tpu.memory_space<vmem>>[vector<16xi32>, vector<16xi32>], vector<16xf32>,
      %add3A_98 = arith.addf %add3A_94, %gather3A_97 : vector<16xf32>
      %broadcast_in_dim3A_99 = arith.constant 3 : i32
      %broadcast_in_dim3A_100 = vector.broadcast %broadcast_in_dim3A_99 : i32 to vector<16xi32>
      %gather3A_101 = tpu.vector_load_idx %arg11[%add3A_85, %broadcast_in_dim3A_100] : memref<512x34xf32, #tpu.memory_space<vmem>>[vector<16xi32>, vector<16xi32>], vector<16xf32>,
      %add3A_102 = arith.addf %add3A_98, %gather3A_101 : vector<16xf32>
      %broadcast_in_dim3A_103 = arith.constant 4 : i32
      %broadcast_in_dim3A_104 = vector.broadcast %broadcast_in_dim3A_103 : i32 to vector<16xi32>
      %gather3A_105 = tpu.vector_load_idx %arg11[%add3A_85, %broadcast_in_dim3A_104] : memref<512x34xf32, #tpu.memory_space<vmem>>[vector<16xi32>, vector<16xi32>], vector<16xf32>,
      %add3A_106 = arith.addf %add3A_102, %gather3A_105 : vector<16xf32>
      %broadcast_in_dim3A_107 = arith.constant 5 : i32
      %broadcast_in_dim3A_108 = vector.broadcast %broadcast_in_dim3A_107 : i32 to vector<16xi32>
      %gather3A_109 = tpu.vector_load_idx %arg11[%add3A_85, %broadcast_in_dim3A_108] : memref<512x34xf32, #tpu.memory_space<vmem>>[vector<16xi32>, vector<16xi32>], vector<16xf32>,
      %add3A_110 = arith.addf %add3A_106, %gather3A_109 : vector<16xf32>
      %broadcast_in_dim3A_111 = arith.constant 6 : i32
      %broadcast_in_dim3A_112 = vector.broadcast %broadcast_in_dim3A_111 : i32 to vector<16xi32>
      %gather3A_113 = tpu.vector_load_idx %arg11[%add3A_85, %broadcast_in_dim3A_112] : memref<512x34xf32, #tpu.memory_space<vmem>>[vector<16xi32>, vector<16xi32>], vector<16xf32>,
      %add3A_114 = arith.addf %add3A_110, %gather3A_113 : vector<16xf32>
      %broadcast_in_dim3A_115 = arith.constant 7 : i32
      %broadcast_in_dim3A_116 = vector.broadcast %broadcast_in_dim3A_115 : i32 to vector<16xi32>
      %gather3A_117 = tpu.vector_load_idx %arg11[%add3A_85, %broadcast_in_dim3A_116] : memref<512x34xf32, #tpu.memory_space<vmem>>[vector<16xi32>, vector<16xi32>], vector<16xf32>,
      %add3A_118 = arith.addf %add3A_114, %gather3A_117 : vector<16xf32>
      %broadcast_in_dim3A_119 = arith.constant 8 : i32
      %broadcast_in_dim3A_120 = vector.broadcast %broadcast_in_dim3A_119 : i32 to vector<16xi32>
      %gather3A_121 = tpu.vector_load_idx %arg11[%add3A_85, %broadcast_in_dim3A_120] : memref<512x34xf32, #tpu.memory_space<vmem>>[vector<16xi32>, vector<16xi32>], vector<16xf32>,
      %add3A_122 = arith.addf %add3A_118, %gather3A_121 : vector<16xf32>
      %broadcast_in_dim3A_123 = arith.constant 9 : i32
      %broadcast_in_dim3A_124 = vector.broadcast %broadcast_in_dim3A_123 : i32 to vector<16xi32>
      %gather3A_125 = tpu.vector_load_idx %arg11[%add3A_85, %broadcast_in_dim3A_124] : memref<512x34xf32, #tpu.memory_space<vmem>>[vector<16xi32>, vector<16xi32>], vector<16xf32>,
      %add3A_126 = arith.addf %add3A_122, %gather3A_125 : vector<16xf32>
      %broadcast_in_dim3A_127 = arith.constant 10 : i32
      %broadcast_in_dim3A_128 = vector.broadcast %broadcast_in_dim3A_127 : i32 to vector<16xi32>
      %gather3A_129 = tpu.vector_load_idx %arg11[%add3A_85, %broadcast_in_dim3A_128] : memref<512x34xf32, #tpu.memory_space<vmem>>[vector<16xi32>, vector<16xi32>], vector<16xf32>,
      %add3A_130 = arith.addf %add3A_126, %gather3A_129 : vector<16xf32>
      %broadcast_in_dim3A_131 = arith.constant 11 : i32
      %broadcast_in_dim3A_132 = vector.broadcast %broadcast_in_dim3A_131 : i32 to vector<16xi32>
      %gather3A_133 = tpu.vector_load_idx %arg11[%add3A_85, %broadcast_in_dim3A_132] : memref<512x34xf32, #tpu.memory_space<vmem>>[vector<16xi32>, vector<16xi32>], vector<16xf32>,
      %add3A_134 = arith.addf %add3A_130, %gather3A_133 : vector<16xf32>
      %broadcast_in_dim3A_135 = arith.constant 12 : i32
      %broadcast_in_dim3A_136 = vector.broadcast %broadcast_in_dim3A_135 : i32 to vector<16xi32>
      %gather3A_137 = tpu.vector_load_idx %arg11[%add3A_85, %broadcast_in_dim3A_136] : memref<512x34xf32, #tpu.memory_space<vmem>>[vector<16xi32>, vector<16xi32>], vector<16xf32>,
      %add3A_138 = arith.addf %add3A_134, %gather3A_137 : vector<16xf32>
      %broadcast_in_dim3A_139 = arith.constant 13 : i32
      %broadcast_in_dim3A_140 = vector.broadcast %broadcast_in_dim3A_139 : i32 to vector<16xi32>
      %gather3A_141 = tpu.vector_load_idx %arg11[%add3A_85, %broadcast_in_dim3A_140] : memref<512x34xf32, #tpu.memory_space<vmem>>[vector<16xi32>, vector<16xi32>], vector<16xf32>,
      %add3A_142 = arith.addf %add3A_138, %gather3A_141 : vector<16xf32>
      %broadcast_in_dim3A_143 = arith.constant 14 : i32
      %broadcast_in_dim3A_144 = vector.broadcast %broadcast_in_dim3A_143 : i32 to vector<16xi32>
      %gather3A_145 = tpu.vector_load_idx %arg11[%add3A_85, %broadcast_in_dim3A_144] : memref<512x34xf32, #tpu.memory_space<vmem>>[vector<16xi32>, vector<16xi32>], vector<16xf32>,
      %add3A_146 = arith.addf %add3A_142, %gather3A_145 : vector<16xf32>
      %broadcast_in_dim3A_147 = arith.constant 15 : i32
      %broadcast_in_dim3A_148 = vector.broadcast %broadcast_in_dim3A_147 : i32 to vector<16xi32>
      %gather3A_149 = tpu.vector_load_idx %arg11[%add3A_85, %broadcast_in_dim3A_148] : memref<512x34xf32, #tpu.memory_space<vmem>>[vector<16xi32>, vector<16xi32>], vector<16xf32>,
      %add3A_150 = arith.addf %add3A_146, %gather3A_149 : vector<16xf32>
      %broadcast_in_dim3A_151 = arith.constant 16 : i32
      %broadcast_in_dim3A_152 = vector.broadcast %broadcast_in_dim3A_151 : i32 to vector<16xi32>
      %gather3A_153 = tpu.vector_load_idx %arg11[%add3A_85, %broadcast_in_dim3A_152] : memref<512x34xf32, #tpu.memory_space<vmem>>[vector<16xi32>, vector<16xi32>], vector<16xf32>,
      %add3A_154 = arith.addf %add3A_150, %gather3A_153 : vector<16xf32>
      %broadcast_in_dim3A_155 = arith.constant 17 : i32
      %broadcast_in_dim3A_156 = vector.broadcast %broadcast_in_dim3A_155 : i32 to vector<16xi32>
      %gather3A_157 = tpu.vector_load_idx %arg11[%add3A_85, %broadcast_in_dim3A_156] : memref<512x34xf32, #tpu.memory_space<vmem>>[vector<16xi32>, vector<16xi32>], vector<16xf32>,
      %add3A_158 = arith.addf %add3A_154, %gather3A_157 : vector<16xf32>
      %broadcast_in_dim3A_159 = arith.constant 18 : i32
      %broadcast_in_dim3A_160 = vector.broadcast %broadcast_in_dim3A_159 : i32 to vector<16xi32>
      %gather3A_161 = tpu.vector_load_idx %arg11[%add3A_85, %broadcast_in_dim3A_160] : memref<512x34xf32, #tpu.memory_space<vmem>>[vector<16xi32>, vector<16xi32>], vector<16xf32>,
      %add3A_162 = arith.addf %add3A_158, %gather3A_161 : vector<16xf32>
      %broadcast_in_dim3A_163 = arith.constant 19 : i32
      %broadcast_in_dim3A_164 = vector.broadcast %broadcast_in_dim3A_163 : i32 to vector<16xi32>
      %gather3A_165 = tpu.vector_load_idx %arg11[%add3A_85, %broadcast_in_dim3A_164] : memref<512x34xf32, #tpu.memory_space<vmem>>[vector<16xi32>, vector<16xi32>], vector<16xf32>,
      %add3A_166 = arith.addf %add3A_162, %gather3A_165 : vector<16xf32>
      %broadcast_in_dim3A_167 = arith.constant 20 : i32
      %broadcast_in_dim3A_168 = vector.broadcast %broadcast_in_dim3A_167 : i32 to vector<16xi32>
      %gather3A_169 = tpu.vector_load_idx %arg11[%add3A_85, %broadcast_in_dim3A_168] : memref<512x34xf32, #tpu.memory_space<vmem>>[vector<16xi32>, vector<16xi32>], vector<16xf32>,
      %add3A_170 = arith.addf %add3A_166, %gather3A_169 : vector<16xf32>
      %broadcast_in_dim3A_171 = arith.constant 21 : i32
      %broadcast_in_dim3A_172 = vector.broadcast %broadcast_in_dim3A_171 : i32 to vector<16xi32>
      %gather3A_173 = tpu.vector_load_idx %arg11[%add3A_85, %broadcast_in_dim3A_172] : memref<512x34xf32, #tpu.memory_space<vmem>>[vector<16xi32>, vector<16xi32>], vector<16xf32>,
      %add3A_174 = arith.addf %add3A_170, %gather3A_173 : vector<16xf32>
      %broadcast_in_dim3A_175 = arith.constant 22 : i32
      %broadcast_in_dim3A_176 = vector.broadcast %broadcast_in_dim3A_175 : i32 to vector<16xi32>
      %gather3A_177 = tpu.vector_load_idx %arg11[%add3A_85, %broadcast_in_dim3A_176] : memref<512x34xf32, #tpu.memory_space<vmem>>[vector<16xi32>, vector<16xi32>], vector<16xf32>,
      %add3A_178 = arith.addf %add3A_174, %gather3A_177 : vector<16xf32>
      %broadcast_in_dim3A_179 = arith.constant 23 : i32
      %broadcast_in_dim3A_180 = vector.broadcast %broadcast_in_dim3A_179 : i32 to vector<16xi32>
      %gather3A_181 = tpu.vector_load_idx %arg11[%add3A_85, %broadcast_in_dim3A_180] : memref<512x34xf32, #tpu.memory_space<vmem>>[vector<16xi32>, vector<16xi32>], vector<16xf32>,
      %add3A_182 = arith.addf %add3A_178, %gather3A_181 : vector<16xf32>
      %broadcast_in_dim3A_183 = arith.constant 24 : i32
      %broadcast_in_dim3A_184 = vector.broadcast %broadcast_in_dim3A_183 : i32 to vector<16xi32>
      %gather3A_185 = tpu.vector_load_idx %arg11[%add3A_85, %broadcast_in_dim3A_184] : memref<512x34xf32, #tpu.memory_space<vmem>>[vector<16xi32>, vector<16xi32>], vector<16xf32>,
      %add3A_186 = arith.addf %add3A_182, %gather3A_185 : vector<16xf32>
      %broadcast_in_dim3A_187 = arith.constant 25 : i32
      %broadcast_in_dim3A_188 = vector.broadcast %broadcast_in_dim3A_187 : i32 to vector<16xi32>
      %gather3A_189 = tpu.vector_load_idx %arg11[%add3A_85, %broadcast_in_dim3A_188] : memref<512x34xf32, #tpu.memory_space<vmem>>[vector<16xi32>, vector<16xi32>], vector<16xf32>,
      %add3A_190 = arith.addf %add3A_186, %gather3A_189 : vector<16xf32>
      %broadcast_in_dim3A_191 = arith.constant 26 : i32
      %broadcast_in_dim3A_192 = vector.broadcast %broadcast_in_dim3A_191 : i32 to vector<16xi32>
      %gather3A_193 = tpu.vector_load_idx %arg11[%add3A_85, %broadcast_in_dim3A_192] : memref<512x34xf32, #tpu.memory_space<vmem>>[vector<16xi32>, vector<16xi32>], vector<16xf32>,
      %add3A_194 = arith.addf %add3A_190, %gather3A_193 : vector<16xf32>
      %broadcast_in_dim3A_195 = arith.constant 27 : i32
      %broadcast_in_dim3A_196 = vector.broadcast %broadcast_in_dim3A_195 : i32 to vector<16xi32>
      %gather3A_197 = tpu.vector_load_idx %arg11[%add3A_85, %broadcast_in_dim3A_196] : memref<512x34xf32, #tpu.memory_space<vmem>>[vector<16xi32>, vector<16xi32>], vector<16xf32>,
      %add3A_198 = arith.addf %add3A_194, %gather3A_197 : vector<16xf32>
      %broadcast_in_dim3A_199 = arith.constant 28 : i32
      %broadcast_in_dim3A_200 = vector.broadcast %broadcast_in_dim3A_199 : i32 to vector<16xi32>
      %gather3A_201 = tpu.vector_load_idx %arg11[%add3A_85, %broadcast_in_dim3A_200] : memref<512x34xf32, #tpu.memory_space<vmem>>[vector<16xi32>, vector<16xi32>], vector<16xf32>,
      %add3A_202 = arith.addf %add3A_198, %gather3A_201 : vector<16xf32>
      %broadcast_in_dim3A_203 = arith.constant 29 : i32
      %broadcast_in_dim3A_204 = vector.broadcast %broadcast_in_dim3A_203 : i32 to vector<16xi32>
      %gather3A_205 = tpu.vector_load_idx %arg11[%add3A_85, %broadcast_in_dim3A_204] : memref<512x34xf32, #tpu.memory_space<vmem>>[vector<16xi32>, vector<16xi32>], vector<16xf32>,
      %add3A_206 = arith.addf %add3A_202, %gather3A_205 : vector<16xf32>
      %broadcast_in_dim3A_207 = arith.constant 30 : i32
      %broadcast_in_dim3A_208 = vector.broadcast %broadcast_in_dim3A_207 : i32 to vector<16xi32>
      %gather3A_209 = tpu.vector_load_idx %arg11[%add3A_85, %broadcast_in_dim3A_208] : memref<512x34xf32, #tpu.memory_space<vmem>>[vector<16xi32>, vector<16xi32>], vector<16xf32>,
      %add3A_210 = arith.addf %add3A_206, %gather3A_209 : vector<16xf32>
      %broadcast_in_dim3A_211 = arith.constant 31 : i32
      %broadcast_in_dim3A_212 = vector.broadcast %broadcast_in_dim3A_211 : i32 to vector<16xi32>
      %gather3A_213 = tpu.vector_load_idx %arg11[%add3A_85, %broadcast_in_dim3A_212] : memref<512x34xf32, #tpu.memory_space<vmem>>[vector<16xi32>, vector<16xi32>], vector<16xf32>,
      %add3A_214 = arith.addf %add3A_210, %gather3A_213 : vector<16xf32>
      %neg3A = arith.constant 0.000000e+00 : f32
      %neg3A_215 = vector.broadcast %neg3A : f32 to vector<16xf32>
      %neg3A_216 = arith.subf %neg3A_215, %add3A_214 : vector<16xf32>
      %exp3A = math.exp %neg3A_216 : vector<16xf32>
      %add3A_217 = arith.constant 1.000000e+00 : f32
      %add3A_218 = vector.broadcast %add3A_217 : f32 to vector<16xf32>
      %add3A_219 = arith.addf %add3A_218, %exp3A : vector<16xf32>
      %div3A = arith.constant 1.000000e+00 : f32
      %div3A_220 = vector.broadcast %div3A : f32 to vector<16xf32>
      %div3A_221 = arith.divf %div3A_220, %add3A_219 : vector<16xf32>
      %mul3A_222 = arith.constant 16 : i32
      %mul3A_223 = arith.muli %scan3A_81, %mul3A_222 : i32
      %swap3A = arith.index_cast %mul3A_223 : i32 to index
      %swap3A_224 = tpu.vector_load %arg10[%swap3A] {strides = array<i32>} : memref<512xf32, #tpu.memory_space<vmem>>, vector<16xf32>,
      tpu.vector_store %arg10[%swap3A], %div3A_221 {strides = array<i32>} : memref<512xf32, #tpu.memory_space<vmem>>, vector<16xf32>,
    }
    %scan3A_80 = arith.constant 32 : i32
    "tpu.region"() ({
      %run_scoped3A = tpu.sem_alloc : memref<!tpu.dma_semaphore, #tpu.memory_space<semaphore_mem>>
      %dma_start3A_81 = tpu.memref_slice %arg6[%mul3A_2] : memref<16384xf32, #tpu.memory_space<hbm>> -> memref<512xf32, #tpu.memory_space<hbm>>
      %dma_start3A_82 = tpu.memref_slice %arg6[%mul3A_2] : memref<16384xf32, #tpu.memory_space<hbm>> -> memref<512xf32, #tpu.memory_space<hbm>>
      tpu.enqueue_dma source(%arg10 : memref<512xf32, #tpu.memory_space<vmem>>) target(%dma_start3A_82 : memref<512xf32, #tpu.memory_space<hbm>>) target_semaphore(%run_scoped3A : memref<!tpu.dma_semaphore, #tpu.memory_space<semaphore_mem>>)
      %dma_wait3A = tpu.memref_slice %arg6[%mul3A_2] : memref<16384xf32, #tpu.memory_space<hbm>> -> memref<512xf32, #tpu.memory_space<hbm>>
      %dma_wait3A_83 = tpu.memref_slice %arg6[%mul3A_2] : memref<16384xf32, #tpu.memory_space<hbm>> -> memref<512xf32, #tpu.memory_space<hbm>>
      tpu.wait_dma2 semaphore(%run_scoped3A : memref<!tpu.dma_semaphore, #tpu.memory_space<semaphore_mem>>) src(%arg10 : memref<512xf32, #tpu.memory_space<vmem>>) dst(%dma_wait3A_83 : memref<512xf32, #tpu.memory_space<hbm>>)
      tpu.yield
    }) : () -> ()
    return
  }
}

</mosaic_0001>

<sc_bundles>
// kernel: _run.3.cloned.1.call-start
scs
__scs_entry_jumppad:
0x0: {  	(pc) =	sbr.rel $0x88, $3  }
0x1: {  	(tag) =	ssettag $0x0;
	lr =	simm.s32 $0x1  }
0x2: {  	[smem:$0x3F9D] =	sst lr;
	_ =	strace $0xD0000000  }
0x3: {  	_ = 	snop  }
0x4: {  	_ = 	snop  }
0x5: {  	_ = 	snop  }
0x6: {  	_ = 	snop  }
0x7: {  	_ = 	snop  }
__scs_overlays_trampoline_lowered:
0x8: {  	[smem:$0x3FAC] =	sst s0  }
0x9: {  	[smem:$0x3FAD] =	sst s1  }
0xa: {  	[smem:$0x3FAE] =	sst s2  }
0xb: {  	[smem:$0x3FAF] =	sst s3  }
0xc: {  	[smem:$0x3FB0] =	sst s4  }
0xd: {  	[smem:$0x3FB1] =	sst s5  }
0xe: {  	[smem:$0x3FB2] =	sst s6  }
0xf: {  	[smem:$0x3FB3] =	sst s7  }
0x10: {  	[smem:$0x3FB4] =	sst s8  }
0x11: {  	[smem:$0x3FB5] =	sst s9;
	s0 =	simm.s32 @!p0 $0x0  }
0x12: {  	s1 =	sld [smem:$0x3F9B];
	s0 =	simm.s32 @p0 $0x1  }
0x13: {  	[smem:$0x3FB6] =	sst s0;
	s0 =	simm.s32 @!p1 $0x0  }
0x14: {  	s2 =	sld [smem:$0x3F9A];
	s0 =	simm.s32 @p1 $0x1  }
0x15: {  	[smem:$0x3FB7] =	sst s0;
	s0 =	simm.s32 @!p2 $0x0  }
0x16: {  	s3 =	sld [smem:$0x3FDB];
	s0 =	simm.s32 @p2 $0x1  }
0x17: {  	s4 =	simm.s32 $0x1BF5;
	[smem:$0x3FB9] =	sst s0  }
0x18: {  	s0 =	sld [smem:$0x3F9C];
	_ =	swait.ge [sflag:s4], $0x0  }
0x19: {  	s7 =	sld [smem:$0x3F9D]  }
0x1a: {  	s8 =	sadd.s32 $0xFFFFE003, lr  }
0x1b: {  	s9 =	sadd.s32 $0xFFFFFEF7, lr;
	s5 =	simm.s32 $0xFFFFFFFF;
	p2 =	slt.u32 s8, $0xFFFFF086  }
0x1c: {  	p1 =	slt.u32 s9, $0xF7A;
	s5 =	simm.s32 @!p2 $0x0  }
0x1d: {  	s5 =	simm.s32 @p1 $0x1;
	p0 =	seq.s32 s7, s2  }
0x1e: {  	s7 =	smul.u32 @!p0 $0xF7A, s2;
	p2 =	seq.s32 @!p0 s5, $0x0  }
0x1f: {  	s9 =	smul.u32 $0xF7A, s1;
	s8 =	simm.s32 @!p0 $0x1BF5;
	p2 =	por !p2, p0  }
0x20: {  	[sflag:s8] =	ssyncset.s32 @!p0 $0xFFFFF086;
	s6 =	sadd.s32 @!p0 s3, s7;
	s7 =	simm.s32 @!p0 $0x108  }
0x21: {  	s3 =	sadd.s32 s3, s9;
	s6 =	sadd.s32 @!p0 $0x88, s6;
	s7 =	simm.s32 @p2 $0x1082  }
0x22: {  	[simem:s7], [sflag:s8] =	dma.local @!p0 [hbm:s6], $0xF7A  }
0x23: {  	s9 =	sor.u32 $0xD0000000, s2;
	s6 =	simm.s32 $0x108;
	_ =	swait.ge @!p0 [sflag:s8], $0x0  }
0x24: {  	s3 =	sadd.s32 $0x88, s3;
	s6 =	simm.s32 @!p1 $0x1082;
	[sflag:s4] =	ssyncset.s32 $0xFFFFF086  }
0x25: {  	[simem:s6], [sflag:s4] =	dma.local [hbm:s3], $0xF7A  }
0x26: {  	[smem:$0x3F9D] =	sst s1;
	(tag) =	ssettag s2;
	_ =	strace s9  }
0x27: {  	s1 =	sld [smem:$0x3FAD]  }
0x28: {  	s2 =	sld [smem:$0x3FAE]  }
0x29: {  	s4 =	sld [smem:$0x3FB0]  }
0x2a: {  	p0 =	seq.s32 s5, $0x0;
	s5 =	sld [smem:$0x3FB1]  }
0x2b: {  	s6 =	sld [smem:$0x3FB2]  }
0x2c: {  	s7 =	sld [smem:$0x3FB3]  }
0x2d: {  	s3 =	simm.s32 $0x108;
	s8 =	sld [smem:$0x3FB4]  }
0x2e: {  	s3 =	simm.s32 @!p0 $0x1082;
	s9 =	sld [smem:$0x3FB5]  }
0x2f: {  	lr =	sadd.s32 s0, s3;
	s0 =	sld [smem:$0x3FAC]  }
0x30: {  	s3 =	sld [smem:$0x3FAF]  }
0x31: {  	[smem:$0x3FB8] =	sst s10  }
0x32: {  	s10 =	sld [smem:$0x3FB6];
	_ =	sdelay $0x3  }
0x33: {  	p0 =	seq.s32 s10, $0x1;
	s10 =	sld [smem:$0x3FB8];
	_ =	sdelay $0x3  }
0x34: {  	[smem:$0x3FB8] =	sst s10  }
0x35: {  	s10 =	sld [smem:$0x3FB7];
	_ =	sdelay $0x3  }
0x36: {  	p1 =	seq.s32 s10, $0x1;
	s10 =	sld [smem:$0x3FB8];
	_ =	sdelay $0x3  }
0x37: {  	[smem:$0x3FB8] =	sst s10  }
0x38: {  	s10 =	sld [smem:$0x3FB9]  }
0x39: {  	_ = 	snop;
	(pc) =	sbr.ind lr, $3  }
0x3a: {  	_ = 	snop  }
0x3b: {  	_ = 	snop  }
0x3c: {  	p2 =	seq.s32 s10, $0x1;
	s10 =	sld [smem:$0x3FB8]  }
0x3d: {  	_ =	shalt  }
0x3e: {  	_ =	shalt  }
0x3f: {  	_ =	shalt  }
0x40: {  	_ =	shalt  }
0x41: {  	_ =	shalt  }
0x42: {  	_ =	shalt  }
0x43: {  	_ =	shalt  }
0x44: {  	_ =	shalt  }
0x45: {  	_ =	shalt  }
0x46: {  	_ =	shalt  }
0x47: {  	_ =	shalt  }
0x48: {  	_ =	shalt  }
0x49: {  	_ =	shalt  }
0x4a: {  	_ =	shalt  }
0x4b: {  	_ =	shalt  }
0x4c: {  	_ =	shalt  }
0x4d: {  	_ =	shalt  }
0x4e: {  	_ =	shalt  }
0x4f: {  	_ =	shalt  }
0x50: {  	_ =	shalt  }
0x51: {  	_ =	shalt  }
0x52: {  	_ =	shalt  }
0x53: {  	_ =	shalt  }
0x54: {  	_ =	shalt  }
0x55: {  	_ =	shalt  }
0x56: {  	_ =	shalt  }
0x57: {  	_ =	shalt  }
0x58: {  	_ =	shalt  }
0x59: {  	_ =	shalt  }
0x5a: {  	_ =	shalt  }
0x5b: {  	_ =	shalt  }
0x5c: {  	_ =	shalt  }
0x5d: {  	_ =	shalt  }
0x5e: {  	_ =	shalt  }
0x5f: {  	_ =	shalt  }
0x60: {  	_ =	shalt  }
0x61: {  	_ =	shalt  }
0x62: {  	_ =	shalt  }
0x63: {  	_ =	shalt  }
0x64: {  	_ =	shalt  }
0x65: {  	_ =	shalt  }
0x66: {  	_ =	shalt  }
0x67: {  	_ =	shalt  }
0x68: {  	_ =	shalt  }
0x69: {  	_ =	shalt  }
0x6a: {  	_ =	shalt  }
0x6b: {  	_ =	shalt  }
0x6c: {  	_ =	shalt  }
0x6d: {  	_ =	shalt  }
0x6e: {  	_ =	shalt  }
0x6f: {  	_ =	shalt  }
0x70: {  	_ =	shalt  }
0x71: {  	_ =	shalt  }
0x72: {  	_ =	shalt  }
0x73: {  	_ =	shalt  }
0x74: {  	_ =	shalt  }
0x75: {  	_ =	shalt  }
0x76: {  	_ =	shalt  }
0x77: {  	_ =	shalt  }
0x78: {  	_ =	shalt  }
0x79: {  	_ =	shalt  }
0x7a: {  	_ =	shalt  }
0x7b: {  	_ =	shalt  }
0x7c: {  	_ =	shalt  }
0x7d: {  	_ =	shalt  }
0x7e: {  	_ =	shalt  }
0x7f: {  	_ =	shalt  }
0x80: {  	_ =	shalt  }
0x81: {  	_ =	shalt  }
0x82: {  	_ =	shalt  }
0x83: {  	_ =	shalt  }
0x84: {  	_ =	shalt  }
0x85: {  	_ =	shalt  }
0x86: {  	_ =	shalt  }
0x87: {  	_ =	shalt  }
.Lfunc_end0:
.L_simem_size_0:
called_computation_lowered:
.L_overlay_start_0:
0x88: {  	s2 =	sld [smem:$0x3FD9]  }
0x89: {  	s3 =	sld [smem:$0x3FFE];
	_ =	sdelay $0x1  }
0x8a: {  	s1 =	srdreg.scid  }
0x8b: {  	s0 =	sand.u32 $0x1, s1  }
0x8c: {  	s17 =	sshll.u32 s0, $0xA;
	s2 =	sadd.s32 s3, s2  }
0x8d: {  	s2 =	sadd.s32 s2, s17  }
0x8e: {  	[smem:$0x3FC4] =	sst s2  }
0x8f: {  	_ = 	snop  }
0x90: {  	s2 =	sld [smem:$0x3FC9]  }
0x91: {  	s18 =	sld [smem:$0x3FC6]  }
0x92: {  	s4 =	sld [smem:$0x3FD0];
	(tm) =	ssettm $0x1  }
0x93: {  	s5 =	sld [smem:$0x3FFB];
	_ =	sdelay $0x3  }
0x94: {  	_ =	strace s5  }
0x95: {  	s5 =	sld [smem:$0x3FFC];
	_ =	sdelay $0x3  }
0x96: {  	_ =	strace s5  }
0x97: {  	s5 =	sld [smem:$0x3FFD];
	_ =	sdelay $0x3  }
0x98: {  	_ =	strace s5  }
0x99: {  	_ =	strace $0x8FFFFFFF  }
0x9a: {  	s19 =	sld [smem:$0x3FDB];
	_ =	sdelay $0x1  }
0x9b: {  	s6 =	simm.s32 $_scs_section_size  }
0x9c: {  	s7 =	simm.s32 $_size__tile_overlayer_lowered;
	s8 =	simm.s32 $_tile_overlayer_lowered  }
0x9d: {  	s22 =	simm.s32 $0x1BFF;
	s21 =	sshll.u32 s8, $0x1;
	s5 =	sadd.s32 s6, s19  }
0x9e: {  	s9 =	simm.s32 $0x0;
	s20 =	sshll.u32 s7, $0x1;
	s7 =	sadd.s32 s21, s5  }
0x9f: {  	[timem:s9], [sflag:s22] =	dma.local [hbm:s7], s20  }
0xa0: {  	_ =	swait.ge [sflag:s22], s20  }
0xa1: {  	s6 =	ssub.s32 $0x0, s20;
	[sflag:s22] =	ssyncset.done $0x0  }
0xa2: {  	[sflag:s22] =	ssyncadd.s32 s6;
	_ =	sdelay $0x1  }
0xa3: {  	s23 =	simm.s32 $0x1B8B  }
0xa4: {  	_ =	swait.ge [sflag:s23], $0x1  }
0xa5: {  	[sflag:s23] =	ssyncset.done $0x0  }
0xa6: {  	s25 =	simm.s32 $0x1B8E;
	s24 =	sld [smem:$0x3FFE];
	[sflag:s23] =	ssyncadd.s32 $0xFFFFFFFF  }
0xa7: {  	s26 =	simm.s32 $execute0_lowered;
	[smem:$0x3FD2] =	sst s25  }
0xa8: {  	s7 =	sshll.u32 s26, $0x1;
	_ =	strace $0x80000046;
	[dreg:$0x1] =	wrdreg $0xFFFFFFFF  }
0xa9: {  	s28 =	simm.s32 $_size_execute0_lowered;
	s5 =	sadd.s32 s5, s7;
	[dreg:$0x0] =	wrdreg $0x0  }
0xaa: {  	s7 =	sshll.u32 s28, $0x1;
	[dreg:$0x2] =	wrdreg s5  }
0xab: {  	[dreg:$0x3] =	wrdreg s7  }
0xac: {  	[dreg:$0x4] =	wrdreg $0xC0  }
0xad: {  	_ =	task [dreg:s9], $0x5FFFF  }
0xae: {  	[dreg:$0x1] =	wrdreg $0xFFFFFFFF  }
0xaf: {  	[dreg:$0x0] =	wrdreg $0x60  }
0xb0: {  	[dreg:$0x2] =	wrdreg s2  }
0xb1: {  	[dreg:$0x3] =	wrdreg s24  }
0xb2: {  	[dreg:$0x4] =	wrdreg s18  }
0xb3: {  	[dreg:$0x5] =	wrdreg s4  }
0xb4: {  	[dreg:$0x6] =	wrdreg $0x9  }
0xb5: {  	_ =	task.clear_ibuf [dreg:s9], $0x7FFFF;
	_ =	strace $0x90000046  }
0xb6: {  	s29 =	simm.s32 $0x9;
	_ =	strace $0x80000048  }
0xb7: {  	_ =	swait.ge [sflag:s29], $0x1  }
0xb8: {  	[sflag:s29] =	ssyncadd.s32 $0xFFFFFFFF  }
0xb9: {  	_ =	strace $0x90000048  }
0xba: {  	_ =	sfence  }
0xbb: {  	s30 =	sld [smem:$0x0];
	_ =	sdelay $0x2  }
0xbc: {  	s31 =	sshll.u32 s1, $0xD;
	s1 =	sshrl.u32 s1, $0x2  }
0xbd: {  	s3 =	sand.u32 $0x4000, s31;
	s1 =	sadd.s32 s1, s30  }
0xbe: {  	s0 =	sor.u32 s3, s0;
	s1 =	sshll.u32 s1, $0x11  }
0xbf: {  	s0 =	sor.u32 s1, s0  }
0xc0: {  	s0 =	sadd.s32 $0x8F2B, s0  }
0xc1: {  	[sflag:s0] =	ssyncadd.remote.s32 $0x1  }
0xc2: {  	_ =	sfence.sel $0xFFFF  }
0xc3: {  	[dreg:$0x0] =	wrdreg $0xFFFFFFFF;
	(pc) =	sbr.abs _section_cstart, $3  }
0xc4: {  	[dreg:$0x1] =	wrdreg $0xFFFFFFFF  }
0xc5: {  	_ =	task.clear_ibuf [dreg:s9], $0x2FFFF;
	_ =	strace $0x9FFFFFFF  }
0xc6: {  	(tm) =	ssettm $0x7FFFFFFF  }
0xc7: {  	_ =	shalt  }
tec
execute0_lowered:
.L_overlay_start_1:
0x0: {  	(tag) =	ssettag $0x1  }
0x1: {  	s5 =	rddreg [dreg:$0x0];
	v0 =	vlaneseq.u32  }
0x2: {  	s4 =	rddreg [dreg:$0x1];
	v0 =	vmul.u32 $0x28, v0  }
0x3: {  	s7 =	rddreg [dreg:$0x3]  }
0x4: {  	s3 =	simm.s32 $0x0;
	s6 =	srdreg.scid;
	s0 =	stileid.u32;
	v1 =	vimm.f32 $0.0e+00;
	v2 =	vor.u32 $0x1, v0  }
0x5: {  	s12 =	simm.s32 $0x80;
	s13 =	simm.s32 $0x5400;
	s14 =	simm.s32 $0x1A00;
	v3 =	vor.u32 $0x2, v0;
	v4 =	vor.u32 $0x3, v0;
	v5 =	vor.u32 $0x4, v0  }
0x6: {  	s15 =	simm.s32 $0x6400;
	s16 =	simm.s32 $0x7400;
	s17 =	simm.s32 $0x1A80;
	v6 =	vor.u32 $0x5, v0;
	v7 =	vor.u32 $0x6, v0;
	v8 =	vor.u32 $0x7, v0  }
0x7: {  	s18 =	simm.s32 $0x8400;
	s19 =	simm.s32 $0xB600;
	s20 =	simm.s32 $0xB400;
	v9 =	vadd.s32 $0x8, v0;
	v10 =	vadd.s32 $0x9, v0;
	v11 =	vadd.s32 $0xA, v0  }
0x8: {  	s21 =	simm.s32 $0x0;
	s6 =	sand.u32 $0x1, s6;
	s8 =	sshll.u32 s0, $0x1;
	v12 =	vadd.s32 $0xB, v0;
	v13 =	vadd.s32 $0xC, v0;
	v14 =	vadd.s32 $0xD, v0  }
0x9: {  	[smem:$0x7FF] =	sst s3;
	s8 =	sor.u32 s6, s8;
	s6 =	ssub.s32 $0x2, s6;
	v15 =	vadd.s32 $0xE, v0;
	v16 =	vadd.s32 $0xF, v0;
	v17 =	vadd.s32 $0x10, v0  }
0xa: {  	_ =	strace $0x80000047;
	s9 =	sshll.u32 s8, $0xA;
	s10 =	sshrl.u32 s6, $0x1;
	v18 =	vadd.s32 $0x11, v0;
	v19 =	vadd.s32 $0x12, v0;
	v20 =	vadd.s32 $0x13, v0  }
0xb: {  	s11 =	smul.u32 $0x680, s8;
	s8 =	sshll.u32 s8, $0x6;
	v21 =	vadd.s32 $0x14, v0;
	v22 =	vadd.s32 $0x15, v0;
	v23 =	vadd.s32 $0x16, v0;
	s9 =	sadd.s32 s9, s4  }
0xc: {  	v24 =	vadd.s32 $0x17, v0;
	v25 =	vadd.s32 $0x18, v0;
	v26 =	vadd.s32 $0x19, v0;
	s4 =	sadd.s32 $0xF42A00, s4;
	s10 =	ssub.s32 s6, s10;
	s7 =	sadd.s32 s7, s8  }
0xd: {  	v27 =	vadd.s32 $0x1A, v0;
	v28 =	vadd.s32 $0x1B, v0;
	v29 =	vadd.s32 $0x1C, v0;
	s5 =	sadd.s32 s5, s11;
	s6 =	sadd.s32 $0x600, s9;
	s8 =	smax.u32 s10, $0x1  }
0xe: {  	v30 =	vadd.s32 $0x1D, v0;
	v31 =	vadd.s32 $0x1E, v0;
	v32 =	vadd.s32 $0x1F, v0;
	s9 =	simm.s32 $0x7;
	s10 =	simm.s32 $0x3400;
	s11 =	simm.s32 $0x10600  }
.LBB2_1:
0xf: {  	[tilespmem:s3], [sflag:$0x7] =	stream.linear.gather [hbm4b:s5+s3], $0x3400, $0x38;
	[tilespmem:$0x10950] =	vst v63  }
0x10: {  	_ =	swait.ge [sflag:s9], $0x3400  }
0x11: {  	[sflag:s9] =	ssyncset.done $0x0  }
0x12: {  	[sflag:s9] =	ssyncadd.s32 $0xFFFFCC00  }
0x13: {  	[tilespmem:s10], [sflag:$0x7] =	stream.linear.gather [hbm4b:s6+s3], $0x2000, $0x38;
	[tilespmem:$0x10950] =	vst v63  }
0x14: {  	_ =	swait.ge [sflag:s9], $0x2000  }
0x15: {  	[sflag:s9] =	ssyncset.done $0x0  }
0x16: {  	[sflag:s9] =	ssyncadd.s32 $0xFFFFE000  }
0x17: {  	s0 =	rddreg [dreg:$0x2]  }
0x18: {  	[tilespmem:s11], [sflag:$0x7] =	stream.linear.gather [hbm4b:s0+s3], $0x350, $0x38;
	[tilespmem:$0x10950] =	vst v63  }
0x19: {  	_ =	swait.ge [sflag:s9], $0x350  }
0x1a: {  	[sflag:s9] =	ssyncset.done $0x0  }
0x1b: {  	[sflag:s9] =	ssyncadd.s32 $0xFFFFFCB0  }
0x1c: {  	[tilespmem:s13], [sflag:$0x1] =	stream.indirect.gather [hbm4b:s4+s12], $0x20, s3, s12, $0xb8;
	[tilespmem:$0x10950] =	vst v63  }
0x1d: {  	_ = 	snop  }
0x1e: {  	[tilespmem:s15], [sflag:$0x2] =	stream.indirect.gather [hbm4b:s4+s12], $0x20, s14, s12, $0xb8;
	[tilespmem:$0x10950] =	vst v63  }
0x1f: {  	_ = 	snop  }
0x20: {  	[tilespmem:s16], [sflag:$0x3] =	stream.indirect.gather [hbm4b:s4+s12], $0x20, s12, s12, $0xb8;
	[tilespmem:$0x10950] =	vst v63  }
0x21: {  	_ = 	snop  }
0x22: {  	[tilespmem:s18], [sflag:$0x4] =	stream.indirect.gather [hbm4b:s4+s12], $0x20, s17, s12, $0xb8;
	[tilespmem:$0x10950] =	vst v63  }
0x23: {  	s23 =	simm.s32 $0xB610;
	s24 =	simm.s32 $0x0;
	s22 =	simm.s32 $0x40;
	v33 =	vld [tilespmem:$0x10940]  }
.LBB2_2:
0x24: {  	p0 =	sne.s32 s22, $0x7FC0;
	v34 =	vld [tilespmem:s24+$0x3400];
	[tilespmem:s23+$0x0] =	vst v1;
	_ =	sdelay $0x2  }
.Ltmp0:
0x25: {  	(pc) =	sbr.rel @p0 .LBB2_2-.Ltmp0, $3  }
0x26: {  	_ = 	snop  }
0x27: {  	v34 =	vmul.f32 v34, v33;
	_ =	sdelay $0x1  }
0x28: {  	s24 =	sshra.s32 s22, $0x2;
	s22 =	sadd.s32 $0x40, s22;
	[tilespmem:s23+$0xFFFFFFF0] =	vst v34;
	s23 =	sadd.s32 $0x28, s23  }
0x29: {  	v34 =	vld [tilespmem:s24+$0x3400];
	_ =	sdelay $0x4  }
0x2a: {  	v33 =	vmul.f32 v34, v33  }
0x2b: {  	[tilespmem:s23+$0x0] =	vst v1;
	s22 =	simm.s32 $0x0  }
0x2c: {  	s24 =	simm.s32 $0x0;
	s25 =	simm.s32 $0x0;
	[tilespmem:s23+$0xFFFFFFF0] =	vst v33;
	s23 =	simm.s32 $0x5400  }
.LBB2_4:
0x2d: {  	s26 =	sshll.u32 s25, $0x1;
	p0 =	sgt.u32 s25, $0x31  }
0x2e: {  	s28 =	smul.u32 @!p0 $0xAB, s26;
	_ =	sdelay $0x1  }
0x2f: {  	s29 =	sadd.s32 @!p0 $0x2AC, s28  }
0x30: {  	s29 =	sshrl.u32 @!p0 s29, $0xA  }
0x31: {  	s29 =	sand.u32 @!p0 $0x3F, s29  }
0x32: {  	s29 =	smul.u32 @!p0 $0x6, s29  }
0x33: {  	s30 =	sadd.s32 @!p0 $0x4, s26;
	s28 =	sadd.s32 @!p0 $0x357, s28  }
0x34: {  	s0 =	simm.s32 @!p0 $0x80;
	s28 =	sshrl.u32 @!p0 s28, $0xA;
	s29 =	ssub.s32 @!p0 s30, s29  }
0x35: {  	s2 =	smul.u32 $0xAB, s26;
	s28 =	sand.u32 @!p0 $0x3F, s28;
	s29 =	sand.u32 @!p0 $0xFF, s29  }
0x36: {  	s28 =	smul.u32 @!p0 $0x6, s28;
	s30 =	sshll.u32 @!p0 s30, $0x6;
	s31 =	sshll.u32 @!p0 s29, $0xC  }
0x37: {  	s30 =	sand.u32 @!p0 $0x3FFFFFC0, s30;
	s29 =	sadd.s32 @!p0 $0x1, s29;
	s31 =	sadd.s32 @!p0 $0x5400, s31  }
0x38: {  	[tilespmem:s31], [sflag:s29] =	stream.indirect.gather @!p0 [hbm4b:s4+s0], $0x20, s30, s0, $0xb8;
	[tilespmem:$0x10950] =	vst v63  }
0x39: {  	s29 =	sadd.s32 @!p0 $0x5, s26;
	s30 =	sshrl.u32 s2, $0xA  }
0x3a: {  	s2 =	sor.u32 $0x1, s26;
	s28 =	ssub.s32 @!p0 s29, s28;
	s30 =	sand.u32 $0x3F, s30  }
0x3b: {  	s29 =	sshll.u32 @!p0 s29, $0x6;
	s1 =	sand.u32 $0xFF, s2;
	s30 =	smul.u32 $0x6, s30  }
0x3c: {  	s28 =	sand.u32 @!p0 $0xFF, s28;
	s29 =	sand.u32 @!p0 $0x3F80, s29;
	s1 =	smul.u32 $0xAB, s1  }
0x3d: {  	s31 =	sshll.u32 @!p0 s28, $0xC;
	s29 =	sadd.s32 @!p0 $0x1A00, s29;
	s28 =	sadd.s32 @!p0 $0x1, s28  }
0x3e: {  	s31 =	sadd.s32 @!p0 $0x5400, s31;
	s30 =	ssub.s32 s26, s30;
	s1 =	sshrl.u32 s1, $0xA  }
0x3f: {  	[tilespmem:s31], [sflag:s28] =	stream.indirect.gather @!p0 [hbm4b:s4+s0], $0x20, s29, s0, $0xb8;
	[tilespmem:$0x10950] =	vst v63  }
0x40: {  	s0 =	sand.u32 $0xFF, s30;
	s1 =	smul.u32 $0x6, s1  }
0x41: {  	s0 =	sadd.s32 $0x1, s0  }
0x42: {  	s1 =	ssub.s32 s2, s1;
	_ =	swait.ge [sflag:s0], $0x1000  }
0x43: {  	s1 =	sand.u32 $0xFF, s1;
	[sflag:s0] =	ssyncset.done $0x0  }
0x44: {  	s29 =	smulhi.u32 $0xAAAAAAAB, s22;
	[sflag:s0] =	ssyncadd.s32 $0xFFFFF000;
	s31 =	sadd.s32 $0x1, s1  }
0x45: {  	s26 =	sand.u32 $0x3, s24;
	_ =	swait.ge [sflag:s31], $0x1000  }
0x46: {  	s30 =	sshll.u32 s25, $0x3;
	s2 =	sshrl.u32 s29, $0x2;
	[sflag:s31] =	ssyncset.done $0x0  }
0x47: {  	s1 =	smul.u32 $0x5000, s26;
	[sflag:s31] =	ssyncadd.s32 $0xFFFFF000;
	s31 =	sand.u32 $0x1E0, s30  }
0x48: {  	s2 =	smul.u32 $0xFFFE8000, s2;
	v33 =	vld [tilespmem:s31+$0x10600]  }
0x49: {  	s1 =	sshrl.u32 s1, $0x2;
	v34 =	vld [tilespmem:s31+$0x10610]  }
0x4a: {  	s2 =	sshra.s32 s2, $0x2;
	s1 =	sadd.s32 $0xB600, s1;
	v35 =	vld [tilespmem:s31+$0x107A0]  }
0x4b: {  	s28 =	simm.s32 $0x0;
	s26 =	sadd.s32 s2, s23;
	v36 =	vld [tilespmem:s31+$0x107B0];
	v37 =	vmov s1  }
.LBB2_5:
0x4c: {  	v40 =	vld [tilespmem:s26+$0x0]  }
0x4d: {  	v41 =	vld [tilespmem:s26+$0x10]  }
0x4e: {  	v42 =	vld [tilespmem:s26+$0x1000]  }
0x4f: {  	s29 =	sshra.s32 s28, $0x2;
	v43 =	vld [tilespmem:s26+$0x1010]  }
0x50: {  	v38 =	vld.idx.msk [tilespmem:v37+s29+$0x0 ss:$0x1], $0xffff  }
0x51: {  	v39 =	vld.idx.msk [tilespmem:v37+s29+$0x10 ss:$0x1], $0xffff;
	_ =	sdelay $0x1  }
0x52: {  	v40 =	vmul.f32 v40, v33  }
0x53: {  	v41 =	vmul.f32 v41, v34  }
0x54: {  	v59 =	vmul.f32 v42, v35;
	v38 =	vadd.f32 v40, v38  }
0x55: {  	v60 =	vmul.f32 v43, v36;
	v39 =	vadd.f32 v41, v39  }
0x56: {  	v38 =	vadd.f32 v59, v38  }
0x57: {  	v39 =	vadd.f32 v60, v39  }
0x58: {  	[tilespmem:v37+s29+$0x0 ss:$0x1] =	vst.idx.msk $0xffff, v38  }
0x59: {  	[tilespmem:v37+s29+$0x10 ss:$0x1] =	vst.idx.msk $0xffff, v39  }
0x5a: {  	v38 =	vld.idx.msk [tilespmem:v37+s29+$0x28 ss:$0x1], $0xffff  }
0x5b: {  	v39 =	vld.idx.msk [tilespmem:v37+s29+$0x38 ss:$0x1], $0xffff  }
0x5c: {  	v61 =	vld [tilespmem:s26+$0x20]  }
0x5d: {  	v62 =	vld [tilespmem:s26+$0x30]  }
0x5e: {  	v63 =	vld [tilespmem:s26+$0x1020]  }
0x5f: {  	v45 =	vld [tilespmem:s26+$0x1030];
	_ =	sdelay $0x1  }
0x60: {  	v40 =	vmul.f32 v61, v33  }
0x61: {  	v41 =	vmul.f32 v62, v34  }
0x62: {  	v46 =	vmul.f32 v63, v35;
	v38 =	vadd.f32 v40, v38  }
0x63: {  	v47 =	vmul.f32 v45, v36;
	v39 =	vadd.f32 v41, v39  }
0x64: {  	v38 =	vadd.f32 v46, v38  }
0x65: {  	v39 =	vadd.f32 v47, v39  }
0x66: {  	[tilespmem:v37+s29+$0x28 ss:$0x1] =	vst.idx.msk $0xffff, v38  }
0x67: {  	[tilespmem:v37+s29+$0x38 ss:$0x1] =	vst.idx.msk $0xffff, v39  }
0x68: {  	v38 =	vld.idx.msk [tilespmem:v37+s29+$0x50 ss:$0x1], $0xffff  }
0x69: {  	v39 =	vld.idx.msk [tilespmem:v37+s29+$0x60 ss:$0x1], $0xffff  }
0x6a: {  	v48 =	vld [tilespmem:s26+$0x40]  }
0x6b: {  	v49 =	vld [tilespmem:s26+$0x50]  }
0x6c: {  	v50 =	vld [tilespmem:s26+$0x1040]  }
0x6d: {  	v51 =	vld [tilespmem:s26+$0x1050];
	_ =	sdelay $0x1  }
0x6e: {  	v40 =	vmul.f32 v48, v33  }
0x6f: {  	v41 =	vmul.f32 v49, v34  }
0x70: {  	v52 =	vmul.f32 v50, v35;
	v38 =	vadd.f32 v40, v38  }
0x71: {  	v53 =	vmul.f32 v51, v36;
	v39 =	vadd.f32 v41, v39  }
0x72: {  	v38 =	vadd.f32 v52, v38  }
0x73: {  	v39 =	vadd.f32 v53, v39  }
0x74: {  	[tilespmem:v37+s29+$0x50 ss:$0x1] =	vst.idx.msk $0xffff, v38  }
0x75: {  	[tilespmem:v37+s29+$0x60 ss:$0x1] =	vst.idx.msk $0xffff, v39  }
0x76: {  	v38 =	vld.idx.msk [tilespmem:v37+s29+$0x78 ss:$0x1], $0xffff  }
0x77: {  	v39 =	vld.idx.msk [tilespmem:v37+s29+$0x88 ss:$0x1], $0xffff  }
0x78: {  	v54 =	vld [tilespmem:s26+$0x60]  }
0x79: {  	v55 =	vld [tilespmem:s26+$0x70]  }
0x7a: {  	v56 =	vld [tilespmem:s26+$0x1060]  }
0x7b: {  	v57 =	vld [tilespmem:s26+$0x1070];
	_ =	sdelay $0x1  }
0x7c: {  	v40 =	vmul.f32 v54, v33  }
0x7d: {  	v41 =	vmul.f32 v55, v34  }
0x7e: {  	v58 =	vmul.f32 v56, v35;
	v38 =	vadd.f32 v40, v38  }
0x7f: {  	v59 =	vmul.f32 v57, v36;
	v39 =	vadd.f32 v41, v39  }
0x80: {  	v38 =	vadd.f32 v58, v38  }
0x81: {  	v39 =	vadd.f32 v59, v39  }
0x82: {  	[tilespmem:v37+s29+$0x78 ss:$0x1] =	vst.idx.msk $0xffff, v38  }
0x83: {  	[tilespmem:v37+s29+$0x88 ss:$0x1] =	vst.idx.msk $0xffff, v39  }
0x84: {  	v38 =	vld.idx.msk [tilespmem:v37+s29+$0xA0 ss:$0x1], $0xffff  }
0x85: {  	v39 =	vld.idx.msk [tilespmem:v37+s29+$0xB0 ss:$0x1], $0xffff  }
0x86: {  	v60 =	vld [tilespmem:s26+$0x80]  }
0x87: {  	v61 =	vld [tilespmem:s26+$0x90]  }
0x88: {  	v62 =	vld [tilespmem:s26+$0x1080]  }
0x89: {  	v63 =	vld [tilespmem:s26+$0x1090];
	_ =	sdelay $0x1  }
0x8a: {  	v40 =	vmul.f32 v60, v33  }
0x8b: {  	v41 =	vmul.f32 v61, v34  }
0x8c: {  	v44 =	vmul.f32 v62, v35;
	v38 =	vadd.f32 v40, v38  }
0x8d: {  	v45 =	vmul.f32 v63, v36;
	v39 =	vadd.f32 v41, v39  }
0x8e: {  	v38 =	vadd.f32 v44, v38  }
0x8f: {  	v39 =	vadd.f32 v45, v39  }
0x90: {  	[tilespmem:v37+s29+$0xA0 ss:$0x1] =	vst.idx.msk $0xffff, v38  }
0x91: {  	[tilespmem:v37+s29+$0xB0 ss:$0x1] =	vst.idx.msk $0xffff, v39  }
0x92: {  	v38 =	vld.idx.msk [tilespmem:v37+s29+$0xC8 ss:$0x1], $0xffff  }
0x93: {  	v39 =	vld.idx.msk [tilespmem:v37+s29+$0xD8 ss:$0x1], $0xffff  }
0x94: {  	v46 =	vld [tilespmem:s26+$0xA0]  }
0x95: {  	v47 =	vld [tilespmem:s26+$0xB0]  }
0x96: {  	v48 =	vld [tilespmem:s26+$0x10A0]  }
0x97: {  	v49 =	vld [tilespmem:s26+$0x10B0];
	_ =	sdelay $0x1  }
0x98: {  	v40 =	vmul.f32 v46, v33  }
0x99: {  	v41 =	vmul.f32 v47, v34  }
0x9a: {  	v50 =	vmul.f32 v48, v35;
	v38 =	vadd.f32 v40, v38  }
0x9b: {  	v51 =	vmul.f32 v49, v36;
	v39 =	vadd.f32 v41, v39  }
0x9c: {  	v38 =	vadd.f32 v50, v38  }
0x9d: {  	v39 =	vadd.f32 v51, v39  }
0x9e: {  	[tilespmem:v37+s29+$0xC8 ss:$0x1] =	vst.idx.msk $0xffff, v38  }
0x9f: {  	[tilespmem:v37+s29+$0xD8 ss:$0x1] =	vst.idx.msk $0xffff, v39  }
0xa0: {  	v38 =	vld.idx.msk [tilespmem:v37+s29+$0xF0 ss:$0x1], $0xffff  }
0xa1: {  	v39 =	vld.idx.msk [tilespmem:v37+s29+$0x100 ss:$0x1], $0xffff  }
0xa2: {  	v52 =	vld [tilespmem:s26+$0xC0]  }
0xa3: {  	v53 =	vld [tilespmem:s26+$0xD0]  }
0xa4: {  	v54 =	vld [tilespmem:s26+$0x10C0]  }
0xa5: {  	v55 =	vld [tilespmem:s26+$0x10D0];
	_ =	sdelay $0x1  }
0xa6: {  	v40 =	vmul.f32 v52, v33  }
0xa7: {  	v41 =	vmul.f32 v53, v34  }
0xa8: {  	v56 =	vmul.f32 v54, v35;
	v38 =	vadd.f32 v40, v38  }
0xa9: {  	v57 =	vmul.f32 v55, v36;
	v39 =	vadd.f32 v41, v39  }
0xaa: {  	v38 =	vadd.f32 v56, v38  }
0xab: {  	v39 =	vadd.f32 v57, v39  }
0xac: {  	[tilespmem:v37+s29+$0xF0 ss:$0x1] =	vst.idx.msk $0xffff, v38  }
0xad: {  	[tilespmem:v37+s29+$0x100 ss:$0x1] =	vst.idx.msk $0xffff, v39  }
0xae: {  	v38 =	vld.idx.msk [tilespmem:v37+s29+$0x118 ss:$0x1], $0xffff  }
0xaf: {  	v39 =	vld.idx.msk [tilespmem:v37+s29+$0x128 ss:$0x1], $0xffff  }
0xb0: {  	v58 =	vld [tilespmem:s26+$0xE0]  }
0xb1: {  	v59 =	vld [tilespmem:s26+$0xF0]  }
0xb2: {  	v60 =	vld [tilespmem:s26+$0x10E0]  }
0xb3: {  	v61 =	vld [tilespmem:s26+$0x10F0];
	_ =	sdelay $0x1  }
0xb4: {  	v40 =	vmul.f32 v58, v33  }
0xb5: {  	v41 =	vmul.f32 v59, v34  }
0xb6: {  	p0 =	sne.s32 s28, $0x4B00;
	v62 =	vmul.f32 v60, v35;
	v38 =	vadd.f32 v40, v38  }
.Ltmp1:
0xb7: {  	v63 =	vmul.f32 v61, v36;
	v39 =	vadd.f32 v41, v39;
	(pc) =	sbr.rel @p0 .LBB2_5-.Ltmp1, $4  }
0xb8: {  	v38 =	vadd.f32 v62, v38  }
0xb9: {  	v39 =	vadd.f32 v63, v39  }
0xba: {  	[tilespmem:v37+s29+$0x118 ss:$0x1] =	vst.idx.msk $0xffff, v38  }
0xbb: {  	s28 =	sadd.s32 $0x500, s28;
	s26 =	sadd.s32 $0x100, s26;
	[tilespmem:v37+s29+$0x128 ss:$0x1] =	vst.idx.msk $0xffff, v39  }
0xbc: {  	s25 =	sadd.s32 $0x1, s25  }
0xbd: {  	p0 =	sne.s32 s25, $0x34  }
.Ltmp2:
0xbe: {  	_ = 	snop;
	(pc) =	sbr.rel @p0 .LBB2_4-.Ltmp2, $2  }
0xbf: {  	_ =	sdelay $0x2  }
0xc0: {  	s24 =	sadd.s32 $0x1, s24;
	s23 =	sadd.s32 $0x2000, s23;
	s22 =	sadd.s32 $0x2, s22  }
0xc1: {  	s0 =	simm.s32 $0x0  }
0xc2: {  	v33 =	vmov s0  }
0xc3: {  	v33 =	vmul.u32 $0x28, v33;
	_ =	sdelay $0x1  }
0xc4: {  	v33 =	vbroadcast v33, $0x0;
	_ =	sdelay $0x1  }
0xc5: {  	v34 =	vadd.s32 v0, v33;
	_ =	sdelay $0x1  }
0xc6: {  	v35 =	vadd.s32 v2, v33;
	_ =	sdelay $0x1  }
0xc7: {  	v36 =	vadd.s32 v3, v33  }
0xc8: {  	v34 =	vld.idx.msk [tilespmem:v34+s19+$0x0], $0xffff  }
0xc9: {  	v37 =	vadd.s32 v4, v33  }
0xca: {  	v35 =	vld.idx.msk [tilespmem:v35+s19+$0x0], $0xffff  }
0xcb: {  	v38 =	vadd.s32 v5, v33  }
0xcc: {  	v36 =	vld.idx.msk [tilespmem:v36+s19+$0x0], $0xffff  }
0xcd: {  	v39 =	vadd.s32 v6, v33;
	v34 =	vadd.f32 $0.0e+00, v34  }
0xce: {  	v37 =	vld.idx.msk [tilespmem:v37+s19+$0x0], $0xffff  }
0xcf: {  	v40 =	vadd.s32 v7, v33;
	v34 =	vadd.f32 v35, v34  }
0xd0: {  	v56 =	vld.idx.msk [tilespmem:v38+s19+$0x0], $0xffff  }
0xd1: {  	v57 =	vadd.s32 v8, v33;
	v34 =	vadd.f32 v36, v34  }
0xd2: {  	v58 =	vld.idx.msk [tilespmem:v39+s19+$0x0], $0xffff  }
0xd3: {  	v59 =	vadd.s32 v9, v33;
	v34 =	vadd.f32 v37, v34  }
0xd4: {  	v60 =	vld.idx.msk [tilespmem:v40+s19+$0x0], $0xffff  }
0xd5: {  	v61 =	vadd.s32 v10, v33;
	v34 =	vadd.f32 v56, v34  }
0xd6: {  	v62 =	vld.idx.msk [tilespmem:v57+s19+$0x0], $0xffff  }
0xd7: {  	v63 =	vadd.s32 v11, v33;
	v34 =	vadd.f32 v58, v34  }
0xd8: {  	v44 =	vld.idx.msk [tilespmem:v59+s19+$0x0], $0xffff  }
0xd9: {  	v45 =	vadd.s32 v12, v33;
	v34 =	vadd.f32 v60, v34  }
0xda: {  	v46 =	vld.idx.msk [tilespmem:v61+s19+$0x0], $0xffff  }
0xdb: {  	v47 =	vadd.s32 v13, v33;
	v34 =	vadd.f32 v62, v34  }
0xdc: {  	v48 =	vld.idx.msk [tilespmem:v63+s19+$0x0], $0xffff  }
0xdd: {  	v49 =	vadd.s32 v14, v33;
	v34 =	vadd.f32 v44, v34  }
0xde: {  	v50 =	vld.idx.msk [tilespmem:v45+s19+$0x0], $0xffff  }
0xdf: {  	v51 =	vadd.s32 v15, v33;
	v34 =	vadd.f32 v46, v34  }
0xe0: {  	v52 =	vld.idx.msk [tilespmem:v47+s19+$0x0], $0xffff  }
0xe1: {  	v53 =	vadd.s32 v16, v33;
	v34 =	vadd.f32 v48, v34  }
0xe2: {  	v54 =	vld.idx.msk [tilespmem:v49+s19+$0x0], $0xffff  }
0xe3: {  	v55 =	vadd.s32 v17, v33;
	v34 =	vadd.f32 v50, v34  }
0xe4: {  	v56 =	vld.idx.msk [tilespmem:v51+s19+$0x0], $0xffff  }
0xe5: {  	v57 =	vadd.s32 v18, v33;
	v34 =	vadd.f32 v52, v34  }
0xe6: {  	v58 =	vld.idx.msk [tilespmem:v53+s19+$0x0], $0xffff  }
0xe7: {  	v59 =	vadd.s32 v19, v33;
	v34 =	vadd.f32 v54, v34  }
0xe8: {  	v60 =	vld.idx.msk [tilespmem:v55+s19+$0x0], $0xffff  }
0xe9: {  	v61 =	vadd.s32 v20, v33;
	v34 =	vadd.f32 v56, v34  }
0xea: {  	v62 =	vld.idx.msk [tilespmem:v57+s19+$0x0], $0xffff  }
0xeb: {  	v63 =	vadd.s32 v21, v33;
	v34 =	vadd.f32 v58, v34  }
0xec: {  	v44 =	vld.idx.msk [tilespmem:v59+s19+$0x0], $0xffff  }
0xed: {  	v45 =	vadd.s32 v22, v33;
	v34 =	vadd.f32 v60, v34  }
0xee: {  	v46 =	vld.idx.msk [tilespmem:v61+s19+$0x0], $0xffff  }
0xef: {  	v47 =	vadd.s32 v23, v33;
	v34 =	vadd.f32 v62, v34  }
0xf0: {  	v48 =	vld.idx.msk [tilespmem:v63+s19+$0x0], $0xffff  }
0xf1: {  	v49 =	vadd.s32 v24, v33;
	v34 =	vadd.f32 v44, v34  }
0xf2: {  	v50 =	vld.idx.msk [tilespmem:v45+s19+$0x0], $0xffff  }
0xf3: {  	v51 =	vadd.s32 v25, v33;
	v34 =	vadd.f32 v46, v34  }
0xf4: {  	v52 =	vld.idx.msk [tilespmem:v47+s19+$0x0], $0xffff  }
0xf5: {  	v53 =	vadd.s32 v26, v33;
	v34 =	vadd.f32 v48, v34  }
0xf6: {  	v54 =	vld.idx.msk [tilespmem:v49+s19+$0x0], $0xffff  }
0xf7: {  	v55 =	vadd.s32 v27, v33;
	v34 =	vadd.f32 v50, v34  }
0xf8: {  	v56 =	vld.idx.msk [tilespmem:v51+s19+$0x0], $0xffff  }
0xf9: {  	v57 =	vadd.s32 v28, v33;
	v34 =	vadd.f32 v52, v34  }
0xfa: {  	v58 =	vld.idx.msk [tilespmem:v53+s19+$0x0], $0xffff  }
0xfb: {  	v59 =	vadd.s32 v29, v33;
	v34 =	vadd.f32 v54, v34  }
0xfc: {  	v60 =	vld.idx.msk [tilespmem:v55+s19+$0x0], $0xffff  }
0xfd: {  	v61 =	vadd.s32 v30, v33;
	v34 =	vadd.f32 v56, v34  }
0xfe: {  	v62 =	vld.idx.msk [tilespmem:v57+s19+$0x0], $0xffff  }
0xff: {  	v63 =	vadd.s32 v31, v33;
	v34 =	vadd.f32 v58, v34  }
0x100: {  	v41 =	vld.idx.msk [tilespmem:v59+s19+$0x0], $0xffff  }
0x101: {  	v33 =	vadd.s32 v32, v33;
	v34 =	vadd.f32 v60, v34  }
0x102: {  	v42 =	vld.idx.msk [tilespmem:v61+s19+$0x0], $0xffff  }
0x103: {  	v34 =	vadd.f32 v62, v34  }
0x104: {  	v43 =	vld.idx.msk [tilespmem:v63+s19+$0x0], $0xffff  }
0x105: {  	v34 =	vadd.f32 v41, v34  }
0x106: {  	v33 =	vld.idx.msk [tilespmem:v33+s19+$0x0], $0xffff  }
0x107: {  	v34 =	vadd.f32 v42, v34;
	_ =	sdelay $0x1  }
0x108: {  	v34 =	vadd.f32 v43, v34;
	_ =	sdelay $0x1  }
0x109: {  	v33 =	vadd.f32 v33, v34;
	_ =	sdelay $0x1  }
0x10a: {  	v33 =	vsub.f32 $0.0e+00, v33;
	_ =	sdelay $0x1  }
0x10b: {  	v33 =	vmul.f32 $1.442695020e+00, v33;
	_ =	sdelay $0x1  }
0x10c: {  	(erf) = vpow2.f32 v33;
	_ =	sdelay $0x8  }
0x10d: {  	v33 =	vpop (erf)  }
0x10e: {  	v33 =	vadd.f32 $1.000000000e+00, v33;
	_ =	sdelay $0x1  }
0x10f: {  	s30 =	simm.s32 $0x10;
	(erf) = vrcp.f32 v33  }
0x110: {  	v44 =	vmov s30  }
0x111: {  	v33 =	vmul.u32 $0x28, v44;
	_ =	sdelay $0x1  }
0x112: {  	v33 =	vbroadcast v33, $0x0;
	_ =	sdelay $0x1  }
0x113: {  	v45 =	vadd.s32 v0, v33;
	_ =	sdelay $0x1  }
0x114: {  	v46 =	vadd.s32 v2, v33  }
0x115: {  	s22 =	simm.s32 $0xB400;
	v47 =	vpop (erf)  }
0x116: {  	v48 =	vadd.s32 v3, v33;
	[tilespmem:s22+$0x0] =	vst v47  }
0x117: {  	v34 =	vld.idx.msk [tilespmem:v45+s19+$0x0], $0xffff  }
0x118: {  	v49 =	vadd.s32 v4, v33  }
0x119: {  	v35 =	vld.idx.msk [tilespmem:v46+s19+$0x0], $0xffff  }
0x11a: {  	v50 =	vadd.s32 v5, v33  }
0x11b: {  	v37 =	vld.idx.msk [tilespmem:v48+s19+$0x0], $0xffff  }
0x11c: {  	v51 =	vadd.s32 v6, v33;
	v34 =	vadd.f32 $0.0e+00, v34  }
0x11d: {  	v36 =	vld.idx.msk [tilespmem:v49+s19+$0x0], $0xffff  }
0x11e: {  	v52 =	vadd.s32 v7, v33;
	v34 =	vadd.f32 v35, v34  }
0x11f: {  	v53 =	vld.idx.msk [tilespmem:v50+s19+$0x0], $0xffff  }
0x120: {  	v54 =	vadd.s32 v8, v33;
	v34 =	vadd.f32 v37, v34  }
0x121: {  	v55 =	vld.idx.msk [tilespmem:v51+s19+$0x0], $0xffff  }
0x122: {  	v56 =	vadd.s32 v9, v33;
	v34 =	vadd.f32 v36, v34  }
0x123: {  	v57 =	vld.idx.msk [tilespmem:v52+s19+$0x0], $0xffff  }
0x124: {  	v58 =	vadd.s32 v10, v33;
	v34 =	vadd.f32 v53, v34  }
0x125: {  	v59 =	vld.idx.msk [tilespmem:v54+s19+$0x0], $0xffff  }
0x126: {  	v60 =	vadd.s32 v11, v33;
	v34 =	vadd.f32 v55, v34  }
0x127: {  	v61 =	vld.idx.msk [tilespmem:v56+s19+$0x0], $0xffff  }
0x128: {  	v62 =	vadd.s32 v12, v33;
	v34 =	vadd.f32 v57, v34  }
0x129: {  	v63 =	vld.idx.msk [tilespmem:v58+s19+$0x0], $0xffff  }
0x12a: {  	v44 =	vadd.s32 v13, v33;
	v34 =	vadd.f32 v59, v34  }
0x12b: {  	v45 =	vld.idx.msk [tilespmem:v60+s19+$0x0], $0xffff  }
0x12c: {  	v46 =	vadd.s32 v14, v33;
	v34 =	vadd.f32 v61, v34  }
0x12d: {  	v47 =	vld.idx.msk [tilespmem:v62+s19+$0x0], $0xffff  }
0x12e: {  	v48 =	vadd.s32 v15, v33;
	v34 =	vadd.f32 v63, v34  }
0x12f: {  	v49 =	vld.idx.msk [tilespmem:v44+s19+$0x0], $0xffff  }
0x130: {  	v50 =	vadd.s32 v16, v33;
	v34 =	vadd.f32 v45, v34  }
0x131: {  	v51 =	vld.idx.msk [tilespmem:v46+s19+$0x0], $0xffff  }
0x132: {  	v52 =	vadd.s32 v17, v33;
	v34 =	vadd.f32 v47, v34  }
0x133: {  	v53 =	vld.idx.msk [tilespmem:v48+s19+$0x0], $0xffff  }
0x134: {  	v54 =	vadd.s32 v18, v33;
	v34 =	vadd.f32 v49, v34  }
0x135: {  	v55 =	vld.idx.msk [tilespmem:v50+s19+$0x0], $0xffff  }
0x136: {  	v56 =	vadd.s32 v19, v33;
	v34 =	vadd.f32 v51, v34  }
0x137: {  	v57 =	vld.idx.msk [tilespmem:v52+s19+$0x0], $0xffff  }
0x138: {  	v58 =	vadd.s32 v20, v33;
	v34 =	vadd.f32 v53, v34  }
0x139: {  	v59 =	vld.idx.msk [tilespmem:v54+s19+$0x0], $0xffff  }
0x13a: {  	v60 =	vadd.s32 v21, v33;
	v34 =	vadd.f32 v55, v34  }
0x13b: {  	v61 =	vld.idx.msk [tilespmem:v56+s19+$0x0], $0xffff  }
0x13c: {  	v62 =	vadd.s32 v22, v33;
	v34 =	vadd.f32 v57, v34  }
0x13d: {  	v63 =	vld.idx.msk [tilespmem:v58+s19+$0x0], $0xffff  }
0x13e: {  	v44 =	vadd.s32 v23, v33;
	v34 =	vadd.f32 v59, v34  }
0x13f: {  	v45 =	vld.idx.msk [tilespmem:v60+s19+$0x0], $0xffff  }
0x140: {  	v46 =	vadd.s32 v24, v33;
	v34 =	vadd.f32 v61, v34  }
0x141: {  	v47 =	vld.idx.msk [tilespmem:v62+s19+$0x0], $0xffff  }
0x142: {  	v48 =	vadd.s32 v25, v33;
	v34 =	vadd.f32 v63, v34  }
0x143: {  	v49 =	vld.idx.msk [tilespmem:v44+s19+$0x0], $0xffff  }
0x144: {  	v50 =	vadd.s32 v26, v33;
	v34 =	vadd.f32 v45, v34  }
0x145: {  	v51 =	vld.idx.msk [tilespmem:v46+s19+$0x0], $0xffff  }
0x146: {  	v52 =	vadd.s32 v27, v33;
	v34 =	vadd.f32 v47, v34  }
0x147: {  	v53 =	vld.idx.msk [tilespmem:v48+s19+$0x0], $0xffff  }
0x148: {  	v54 =	vadd.s32 v28, v33;
	v34 =	vadd.f32 v49, v34  }
0x149: {  	v55 =	vld.idx.msk [tilespmem:v50+s19+$0x0], $0xffff  }
0x14a: {  	v56 =	vadd.s32 v29, v33;
	v34 =	vadd.f32 v51, v34  }
0x14b: {  	v57 =	vld.idx.msk [tilespmem:v52+s19+$0x0], $0xffff  }
0x14c: {  	v58 =	vadd.s32 v30, v33;
	v34 =	vadd.f32 v53, v34  }
0x14d: {  	v59 =	vld.idx.msk [tilespmem:v54+s19+$0x0], $0xffff  }
0x14e: {  	v60 =	vadd.s32 v31, v33;
	v34 =	vadd.f32 v55, v34  }
0x14f: {  	v61 =	vld.idx.msk [tilespmem:v56+s19+$0x0], $0xffff  }
0x150: {  	v33 =	vadd.s32 v32, v33;
	v34 =	vadd.f32 v57, v34  }
0x151: {  	v62 =	vld.idx.msk [tilespmem:v58+s19+$0x0], $0xffff  }
0x152: {  	v34 =	vadd.f32 v59, v34  }
0x153: {  	v63 =	vld.idx.msk [tilespmem:v60+s19+$0x0], $0xffff  }
0x154: {  	v34 =	vadd.f32 v61, v34  }
0x155: {  	v33 =	vld.idx.msk [tilespmem:v33+s19+$0x0], $0xffff  }
0x156: {  	v34 =	vadd.f32 v62, v34;
	_ =	sdelay $0x1  }
0x157: {  	v34 =	vadd.f32 v63, v34;
	_ =	sdelay $0x1  }
0x158: {  	v33 =	vadd.f32 v33, v34;
	_ =	sdelay $0x1  }
0x159: {  	v33 =	vsub.f32 $0.0e+00, v33;
	_ =	sdelay $0x1  }
0x15a: {  	v33 =	vmul.f32 $1.442695020e+00, v33;
	_ =	sdelay $0x1  }
0x15b: {  	(erf) = vpow2.f32 v33;
	_ =	sdelay $0x8  }
0x15c: {  	v33 =	vpop (erf)  }
0x15d: {  	v33 =	vadd.f32 $1.000000000e+00, v33;
	_ =	sdelay $0x1  }
0x15e: {  	s31 =	simm.s32 $0x20;
	(erf) = vrcp.f32 v33  }
0x15f: {  	s23 =	simm.s32 $0x30;
	v33 =	vmov s31  }
.LBB2_8:
0x160: {  	p0 =	sne.s32 s23, $0x1F0;
	v33 =	vmul.u32 $0x28, v33;
	_ =	sdelay $0x1  }
0x161: {  	v33 =	vbroadcast v33, $0x0;
	_ =	sdelay $0x1  }
0x162: {  	v34 =	vadd.s32 v0, v33;
	_ =	sdelay $0x1  }
0x163: {  	v35 =	vadd.s32 v2, v33  }
0x164: {  	s22 =	sadd.s32 $0x10, s22;
	v36 =	vpop (erf)  }
0x165: {  	v37 =	vadd.s32 v3, v33;
	[tilespmem:s22+$0x0] =	vst v36  }
0x166: {  	v34 =	vld.idx.msk [tilespmem:v34+s19+$0x0], $0xffff  }
0x167: {  	v36 =	vadd.s32 v4, v33  }
0x168: {  	v35 =	vld.idx.msk [tilespmem:v35+s19+$0x0], $0xffff  }
0x169: {  	v38 =	vadd.s32 v5, v33  }
0x16a: {  	v37 =	vld.idx.msk [tilespmem:v37+s19+$0x0], $0xffff  }
0x16b: {  	v39 =	vadd.s32 v6, v33  }
0x16c: {  	v34 =	vadd.f32 $0.0e+00, v34;
	v36 =	vld.idx.msk [tilespmem:v36+s19+$0x0], $0xffff  }
0x16d: {  	v40 =	vadd.s32 v7, v33  }
0x16e: {  	v34 =	vadd.f32 v35, v34;
	v35 =	vld.idx.msk [tilespmem:v38+s19+$0x0], $0xffff  }
0x16f: {  	v38 =	vadd.s32 v8, v33  }
0x170: {  	v34 =	vadd.f32 v37, v34;
	v37 =	vld.idx.msk [tilespmem:v39+s19+$0x0], $0xffff  }
0x171: {  	v39 =	vadd.s32 v9, v33  }
0x172: {  	v34 =	vadd.f32 v36, v34;
	v36 =	vld.idx.msk [tilespmem:v40+s19+$0x0], $0xffff  }
0x173: {  	v40 =	vadd.s32 v10, v33  }
0x174: {  	v34 =	vadd.f32 v35, v34;
	v35 =	vld.idx.msk [tilespmem:v38+s19+$0x0], $0xffff  }
0x175: {  	v38 =	vadd.s32 v11, v33  }
0x176: {  	v34 =	vadd.f32 v37, v34;
	v37 =	vld.idx.msk [tilespmem:v39+s19+$0x0], $0xffff  }
0x177: {  	v39 =	vadd.s32 v12, v33  }
0x178: {  	v34 =	vadd.f32 v36, v34;
	v36 =	vld.idx.msk [tilespmem:v40+s19+$0x0], $0xffff  }
0x179: {  	v40 =	vadd.s32 v13, v33  }
0x17a: {  	v34 =	vadd.f32 v35, v34;
	v35 =	vld.idx.msk [tilespmem:v38+s19+$0x0], $0xffff  }
0x17b: {  	v38 =	vadd.s32 v14, v33  }
0x17c: {  	v34 =	vadd.f32 v37, v34;
	v37 =	vld.idx.msk [tilespmem:v39+s19+$0x0], $0xffff  }
0x17d: {  	v39 =	vadd.s32 v15, v33  }
0x17e: {  	v34 =	vadd.f32 v36, v34;
	v36 =	vld.idx.msk [tilespmem:v40+s19+$0x0], $0xffff  }
0x17f: {  	v40 =	vadd.s32 v16, v33  }
0x180: {  	v34 =	vadd.f32 v35, v34;
	v35 =	vld.idx.msk [tilespmem:v38+s19+$0x0], $0xffff  }
0x181: {  	v38 =	vadd.s32 v17, v33  }
0x182: {  	v34 =	vadd.f32 v37, v34;
	v37 =	vld.idx.msk [tilespmem:v39+s19+$0x0], $0xffff  }
0x183: {  	v39 =	vadd.s32 v18, v33  }
0x184: {  	v34 =	vadd.f32 v36, v34;
	v36 =	vld.idx.msk [tilespmem:v40+s19+$0x0], $0xffff  }
0x185: {  	v40 =	vadd.s32 v19, v33  }
0x186: {  	v34 =	vadd.f32 v35, v34;
	v35 =	vld.idx.msk [tilespmem:v38+s19+$0x0], $0xffff  }
0x187: {  	v38 =	vadd.s32 v20, v33  }
0x188: {  	v34 =	vadd.f32 v37, v34;
	v37 =	vld.idx.msk [tilespmem:v39+s19+$0x0], $0xffff  }
0x189: {  	v39 =	vadd.s32 v21, v33  }
0x18a: {  	v34 =	vadd.f32 v36, v34;
	v36 =	vld.idx.msk [tilespmem:v40+s19+$0x0], $0xffff  }
0x18b: {  	v40 =	vadd.s32 v22, v33  }
0x18c: {  	v34 =	vadd.f32 v35, v34;
	v35 =	vld.idx.msk [tilespmem:v38+s19+$0x0], $0xffff  }
0x18d: {  	v38 =	vadd.s32 v23, v33  }
0x18e: {  	v34 =	vadd.f32 v37, v34;
	v37 =	vld.idx.msk [tilespmem:v39+s19+$0x0], $0xffff  }
0x18f: {  	v39 =	vadd.s32 v24, v33  }
0x190: {  	v34 =	vadd.f32 v36, v34;
	v36 =	vld.idx.msk [tilespmem:v40+s19+$0x0], $0xffff  }
0x191: {  	v40 =	vadd.s32 v25, v33  }
0x192: {  	v34 =	vadd.f32 v35, v34;
	v35 =	vld.idx.msk [tilespmem:v38+s19+$0x0], $0xffff  }
0x193: {  	v38 =	vadd.s32 v26, v33  }
0x194: {  	v34 =	vadd.f32 v37, v34;
	v37 =	vld.idx.msk [tilespmem:v39+s19+$0x0], $0xffff  }
0x195: {  	v39 =	vadd.s32 v27, v33  }
0x196: {  	v34 =	vadd.f32 v36, v34;
	v36 =	vld.idx.msk [tilespmem:v40+s19+$0x0], $0xffff  }
0x197: {  	v40 =	vadd.s32 v28, v33  }
0x198: {  	v34 =	vadd.f32 v35, v34;
	v35 =	vld.idx.msk [tilespmem:v38+s19+$0x0], $0xffff  }
0x199: {  	v38 =	vadd.s32 v29, v33  }
0x19a: {  	v34 =	vadd.f32 v37, v34;
	v37 =	vld.idx.msk [tilespmem:v39+s19+$0x0], $0xffff  }
0x19b: {  	v39 =	vadd.s32 v30, v33  }
0x19c: {  	v34 =	vadd.f32 v36, v34;
	v36 =	vld.idx.msk [tilespmem:v40+s19+$0x0], $0xffff  }
0x19d: {  	v40 =	vadd.s32 v31, v33  }
0x19e: {  	v34 =	vadd.f32 v35, v34;
	v35 =	vld.idx.msk [tilespmem:v38+s19+$0x0], $0xffff  }
0x19f: {  	v33 =	vadd.s32 v32, v33  }
0x1a0: {  	v34 =	vadd.f32 v37, v34;
	v37 =	vld.idx.msk [tilespmem:v39+s19+$0x0], $0xffff;
	_ =	sdelay $0x1  }
0x1a1: {  	v34 =	vadd.f32 v36, v34;
	v36 =	vld.idx.msk [tilespmem:v40+s19+$0x0], $0xffff;
	_ =	sdelay $0x1  }
0x1a2: {  	v34 =	vadd.f32 v35, v34;
	v33 =	vld.idx.msk [tilespmem:v33+s19+$0x0], $0xffff;
	_ =	sdelay $0x1  }
0x1a3: {  	v34 =	vadd.f32 v37, v34;
	_ =	sdelay $0x1  }
0x1a4: {  	v34 =	vadd.f32 v36, v34;
	_ =	sdelay $0x1  }
0x1a5: {  	v33 =	vadd.f32 v33, v34;
	_ =	sdelay $0x1  }
0x1a6: {  	v33 =	vsub.f32 $0.0e+00, v33;
	_ =	sdelay $0x1  }
0x1a7: {  	v33 =	vmul.f32 $1.442695020e+00, v33;
	_ =	sdelay $0x1  }
0x1a8: {  	(erf) = vpow2.f32 v33;
	_ =	sdelay $0x8  }
.Ltmp3:
0x1a9: {  	v33 =	vpop (erf);
	(pc) =	sbr.rel @p0 .LBB2_8-.Ltmp3, $3  }
0x1aa: {  	v33 =	vadd.f32 $1.000000000e+00, v33;
	_ =	sdelay $0x1  }
0x1ab: {  	(erf) = vrcp.f32 v33  }
0x1ac: {  	v33 =	vmov s23;
	s23 =	sadd.s32 $0x10, s23  }
0x1ad: {  	v33 =	vmul.u32 $0x28, v33;
	_ =	sdelay $0x1  }
0x1ae: {  	v33 =	vbroadcast v33, $0x0;
	_ =	sdelay $0x1  }
0x1af: {  	v34 =	vadd.s32 v0, v33;
	_ =	sdelay $0x1  }
0x1b0: {  	v35 =	vadd.s32 v2, v33  }
0x1b1: {  	s22 =	sadd.s32 $0x10, s22;
	v36 =	vpop (erf)  }
0x1b2: {  	v37 =	vadd.s32 v3, v33;
	[tilespmem:s22+$0x0] =	vst v36  }
0x1b3: {  	v34 =	vld.idx.msk [tilespmem:v34+s19+$0x0], $0xffff  }
0x1b4: {  	v52 =	vadd.s32 v4, v33  }
0x1b5: {  	v35 =	vld.idx.msk [tilespmem:v35+s19+$0x0], $0xffff  }
0x1b6: {  	v38 =	vadd.s32 v5, v33  }
0x1b7: {  	v37 =	vld.idx.msk [tilespmem:v37+s19+$0x0], $0xffff  }
0x1b8: {  	v39 =	vadd.s32 v6, v33;
	v34 =	vadd.f32 $0.0e+00, v34  }
0x1b9: {  	v36 =	vld.idx.msk [tilespmem:v52+s19+$0x0], $0xffff  }
0x1ba: {  	v40 =	vadd.s32 v7, v33;
	v34 =	vadd.f32 v35, v34  }
0x1bb: {  	v53 =	vld.idx.msk [tilespmem:v38+s19+$0x0], $0xffff  }
0x1bc: {  	v54 =	vadd.s32 v8, v33;
	v34 =	vadd.f32 v37, v34  }
0x1bd: {  	v55 =	vld.idx.msk [tilespmem:v39+s19+$0x0], $0xffff  }
0x1be: {  	v56 =	vadd.s32 v9, v33;
	v34 =	vadd.f32 v36, v34  }
0x1bf: {  	v57 =	vld.idx.msk [tilespmem:v40+s19+$0x0], $0xffff  }
0x1c0: {  	v58 =	vadd.s32 v10, v33;
	v34 =	vadd.f32 v53, v34  }
0x1c1: {  	v59 =	vld.idx.msk [tilespmem:v54+s19+$0x0], $0xffff  }
0x1c2: {  	v60 =	vadd.s32 v11, v33;
	v34 =	vadd.f32 v55, v34  }
0x1c3: {  	v61 =	vld.idx.msk [tilespmem:v56+s19+$0x0], $0xffff  }
0x1c4: {  	v62 =	vadd.s32 v12, v33;
	v34 =	vadd.f32 v57, v34  }
0x1c5: {  	v63 =	vld.idx.msk [tilespmem:v58+s19+$0x0], $0xffff  }
0x1c6: {  	v44 =	vadd.s32 v13, v33;
	v34 =	vadd.f32 v59, v34  }
0x1c7: {  	v45 =	vld.idx.msk [tilespmem:v60+s19+$0x0], $0xffff  }
0x1c8: {  	v46 =	vadd.s32 v14, v33;
	v34 =	vadd.f32 v61, v34  }
0x1c9: {  	v47 =	vld.idx.msk [tilespmem:v62+s19+$0x0], $0xffff  }
0x1ca: {  	v48 =	vadd.s32 v15, v33;
	v34 =	vadd.f32 v63, v34  }
0x1cb: {  	v49 =	vld.idx.msk [tilespmem:v44+s19+$0x0], $0xffff  }
0x1cc: {  	v50 =	vadd.s32 v16, v33;
	v34 =	vadd.f32 v45, v34  }
0x1cd: {  	v51 =	vld.idx.msk [tilespmem:v46+s19+$0x0], $0xffff  }
0x1ce: {  	v52 =	vadd.s32 v17, v33;
	v34 =	vadd.f32 v47, v34  }
0x1cf: {  	v53 =	vld.idx.msk [tilespmem:v48+s19+$0x0], $0xffff  }
0x1d0: {  	v54 =	vadd.s32 v18, v33;
	v34 =	vadd.f32 v49, v34  }
0x1d1: {  	v55 =	vld.idx.msk [tilespmem:v50+s19+$0x0], $0xffff  }
0x1d2: {  	v56 =	vadd.s32 v19, v33;
	v34 =	vadd.f32 v51, v34  }
0x1d3: {  	v57 =	vld.idx.msk [tilespmem:v52+s19+$0x0], $0xffff  }
0x1d4: {  	v58 =	vadd.s32 v20, v33;
	v34 =	vadd.f32 v53, v34  }
0x1d5: {  	v59 =	vld.idx.msk [tilespmem:v54+s19+$0x0], $0xffff  }
0x1d6: {  	v60 =	vadd.s32 v21, v33;
	v34 =	vadd.f32 v55, v34  }
0x1d7: {  	v61 =	vld.idx.msk [tilespmem:v56+s19+$0x0], $0xffff  }
0x1d8: {  	v62 =	vadd.s32 v22, v33;
	v34 =	vadd.f32 v57, v34  }
0x1d9: {  	v63 =	vld.idx.msk [tilespmem:v58+s19+$0x0], $0xffff  }
0x1da: {  	v44 =	vadd.s32 v23, v33;
	v34 =	vadd.f32 v59, v34  }
0x1db: {  	v45 =	vld.idx.msk [tilespmem:v60+s19+$0x0], $0xffff  }
0x1dc: {  	v46 =	vadd.s32 v24, v33;
	v34 =	vadd.f32 v61, v34  }
0x1dd: {  	v47 =	vld.idx.msk [tilespmem:v62+s19+$0x0], $0xffff  }
0x1de: {  	v48 =	vadd.s32 v25, v33;
	v34 =	vadd.f32 v63, v34  }
0x1df: {  	v49 =	vld.idx.msk [tilespmem:v44+s19+$0x0], $0xffff  }
0x1e0: {  	v50 =	vadd.s32 v26, v33;
	v34 =	vadd.f32 v45, v34  }
0x1e1: {  	v51 =	vld.idx.msk [tilespmem:v46+s19+$0x0], $0xffff  }
0x1e2: {  	v52 =	vadd.s32 v27, v33;
	v34 =	vadd.f32 v47, v34  }
0x1e3: {  	v53 =	vld.idx.msk [tilespmem:v48+s19+$0x0], $0xffff  }
0x1e4: {  	v54 =	vadd.s32 v28, v33;
	v34 =	vadd.f32 v49, v34  }
0x1e5: {  	v55 =	vld.idx.msk [tilespmem:v50+s19+$0x0], $0xffff  }
0x1e6: {  	v56 =	vadd.s32 v29, v33;
	v34 =	vadd.f32 v51, v34  }
0x1e7: {  	v57 =	vld.idx.msk [tilespmem:v52+s19+$0x0], $0xffff  }
0x1e8: {  	v58 =	vadd.s32 v30, v33;
	v34 =	vadd.f32 v53, v34  }
0x1e9: {  	v59 =	vld.idx.msk [tilespmem:v54+s19+$0x0], $0xffff  }
0x1ea: {  	v60 =	vadd.s32 v31, v33;
	v34 =	vadd.f32 v55, v34  }
0x1eb: {  	v61 =	vld.idx.msk [tilespmem:v56+s19+$0x0], $0xffff  }
0x1ec: {  	v33 =	vadd.s32 v32, v33;
	v34 =	vadd.f32 v57, v34  }
0x1ed: {  	v62 =	vld.idx.msk [tilespmem:v58+s19+$0x0], $0xffff  }
0x1ee: {  	v34 =	vadd.f32 v59, v34  }
0x1ef: {  	v63 =	vld.idx.msk [tilespmem:v60+s19+$0x0], $0xffff  }
0x1f0: {  	v34 =	vadd.f32 v61, v34  }
0x1f1: {  	v33 =	vld.idx.msk [tilespmem:v33+s19+$0x0], $0xffff  }
0x1f2: {  	v34 =	vadd.f32 v62, v34;
	_ =	sdelay $0x1  }
0x1f3: {  	v34 =	vadd.f32 v63, v34;
	_ =	sdelay $0x1  }
0x1f4: {  	v33 =	vadd.f32 v33, v34;
	_ =	sdelay $0x1  }
0x1f5: {  	v33 =	vsub.f32 $0.0e+00, v33;
	_ =	sdelay $0x1  }
0x1f6: {  	v33 =	vmul.f32 $1.442695020e+00, v33;
	_ =	sdelay $0x1  }
0x1f7: {  	(erf) = vpow2.f32 v33;
	_ =	sdelay $0x8  }
0x1f8: {  	v33 =	vpop (erf)  }
0x1f9: {  	v33 =	vadd.f32 $1.000000000e+00, v33;
	_ =	sdelay $0x1  }
0x1fa: {  	(erf) = vrcp.f32 v33;
	_ =	sdelay $0x7  }
0x1fb: {  	s21 =	sadd.s32 $0x1, s21  }
0x1fc: {  	s0 =	sadd.s32 $0x10, s22;
	p0 =	sne.s32 s21, s8;
	v33 =	vpop (erf)  }
.Ltmp4:
0x1fd: {  	[tilespmem:s0+$0x0] =	vst v33;
	(pc) =	sbr.rel @p0 .LBB2_1-.Ltmp4, $4  }
0x1fe: {  	[hbm4b:s7+s3] =	stream.linear.scatter [tilespmem:s20], [sflag:$0x7], $0x200, $0x38;
	[tilespmem:$0x10950] =	vst v63  }
0x1ff: {  	_ =	swait.ge [sflag:s9], $0x200  }
0x200: {  	[sflag:s9] =	ssyncset.done $0x0  }
0x201: {  	[sflag:s9] =	ssyncadd.s32 $0xFFFFFE00  }
0x202: {  	_ =	sfence.sel $0x180000  }
0x203: {  	[bflag:$0x0] =	sbarrier.arrive $0xFFFF  }
0x204: {  	_ =	strace $0x90000047  }
0x205: {  	s0 =	stileid.u32;
	[bflag:$0x2] =	sbarrier.arrive $0xFFFF  }
0x206: {  	p0 =	sne.s32 s0, $0x0;
	s0 =	rddreg [dreg:$0x4]  }
0x207: {  	s0 =	sadd.s32 @!p0 $0x100000, s0  }
0x208: {  	[sflag:s0] =	ssyncadd.tile.s32 @!p0 $0x1;
	_ =	shalt  }
.Lfunc_end2:
_tile_overlayer_lowered:
.L_overlay_start_2:
0x209: {  	(tag) =	ssettag $0x2  }
0x20a: {  	s0 =	rddreg [dreg:$0x0];
	s2 =	stileid.u32  }
0x20b: {  	s1 =	rddreg [dreg:$0x1];
	p0 =	sne.s32 s2, $0x0  }
0x20c: {  	s3 =	rddreg [dreg:$0x2];
	[bflag:$0x3] =	sbarrier.arrive $0xFFFF;
	s2 =	simm.s32 @!p0 $0x1C07  }
0x20d: {  	[timem:s3], [sflag:s2] =	dma.local @!p0 [hbm:s0], s1  }
0x20e: {  	s0 =	simm.s32 @!p0 $0x7  }
0x20f: {  	_ =	swait.ge @!p0 [sflag:s0], s1  }
0x210: {  	s1 =	ssub.s32 @!p0 $0x0, s1;
	[sflag:s0] =	ssyncset.done @!p0 $0x0  }
0x211: {  	[sflag:s0] =	ssyncadd.s32 @!p0 s1  }
0x212: {  	[bflag:$0x3] =	sbarrier.arrive $0xFFFF  }
0x213: {  	_ =	shalt  }

</sc_bundles>
